<compile_context>
chip_gen: v7x
topology: tpu7x:2x2x1
jax: 0.10.2.dev20260603
libtpu: 0.0.44.dev20260713+nightly
codegen_flags: <defaults>
</compile_context>

<pallas_src>
import functools

import jax
import jax.numpy as jnp
from jax import lax
from jax.experimental import pallas as pl
from jax.experimental.pallas import tpu as pltpu
from jax.experimental.pallas import tpu_sc as plsc

VOCAB = 1000000
B = 4096
T = 200
D = 64
N = B * T
NC = 2
NS = 16
NW = NC * NS
ROWS_W = N // NW
CHUNK = 128
N_CHUNKS = ROWS_W // CHUNK
NB = 2
NST = 3
NSLOT = NST * NB
NGROUP = N_CHUNKS // NB
POS_BUF = T + CHUNK


@jax.jit
def _embed(tok2, idx3, pos2):
    mesh = plsc.VectorSubcoreMesh(core_axis_name="c", subcore_axis_name="s")

    @functools.partial(
        pl.kernel,
        out_type=jax.ShapeDtypeStruct((N, 2 * D), jnp.float32),
        mesh=mesh,
        scratch_types=[
            pltpu.VMEM((N_CHUNKS, CHUNK), jnp.int32),
            pltpu.VMEM((NSLOT, CHUNK, D), jnp.float32),
            pltpu.SemaphoreType.DMA((NSLOT,)),
            pltpu.SemaphoreType.DMA((NSLOT,)),
            pltpu.SemaphoreType.DMA((NSLOT,)),
            pltpu.VMEM_SHARED((POS_BUF, D), jnp.float32),
        ],
        compiler_params=pltpu.CompilerParams(use_tc_tiling_on_sc=False),
    )
    def k(tok_hbm, idx_hbm, pos2_hbm, out_hbm, idx_v, bufs, semp, semg,
          sems, pos_sh):
        wid = lax.axis_index("s") * NC + lax.axis_index("c")
        base = wid * ROWS_W
        @pl.when(lax.axis_index("s") == 0)
        def _():
            pltpu.sync_copy(pos2_hbm.at[pl.ds(0, POS_BUF)], pos_sh)
        pltpu.sync_copy(idx_hbm.at[wid], idx_v)
        plsc.subcore_barrier()

        def prefill(g, sp, b):
            j = g * NB + b
            rem = lax.rem(j * CHUNK, T)
            s = sp * NB + b
            pltpu.async_copy(pos_sh.at[pl.ds(rem, CHUNK)], bufs.at[s],
                             semp.at[s])

        def wait_prefill(sp, b):
            s = sp * NB + b
            pltpu.make_async_copy(pos_sh.at[pl.ds(0, CHUNK)], bufs.at[s],
                                  semp.at[s]).wait()

        def gather(g, sp, b):
            s = sp * NB + b
            pltpu.async_copy(tok_hbm.at[idx_v.at[g * NB + b]], bufs.at[s],
                             semg.at[s], add=True)

        def wait_gather(g, sp, b):
            s = sp * NB + b
            pltpu.make_async_copy(tok_hbm.at[idx_v.at[g * NB + b]],
                                  bufs.at[s], semg.at[s]).wait()

        def store(g, sp, b):
            j = g * NB + b
            s = sp * NB + b
            pltpu.async_copy(bufs.at[s],
                             out_hbm.at[pl.ds(base + j * CHUNK, CHUNK),
                                        pl.ds(0, D)], sems.at[s])

        def wait_store(sp, b):
            s = sp * NB + b
            pltpu.make_async_copy(pos2_hbm.at[pl.ds(0, CHUNK)], bufs.at[s],
                                  sems.at[s]).wait()

        for b in range(NB):
            prefill(0, 0, b)
        for b in range(NB):
            prefill(1, 1, b)
        for b in range(NB):
            wait_prefill(0, b)
            gather(0, 0, b)

        @pl.loop(0, (NGROUP + NST - 1) // NST)
        def _(g3):
            for p in range(NST):
                g = g3 * NST + p

                @pl.when(g + 2 < NGROUP)
                def _():
                    sp2 = (p + 2) % NST
                    for b in range(NB):
                        @pl.when(g >= 1)
                        def _():
                            wait_store(sp2, b)
                        prefill(g + 2, sp2, b)

                @pl.when(g + 1 < NGROUP)
                def _():
                    sp1 = (p + 1) % NST
                    for b in range(NB):
                        wait_prefill(sp1, b)
                        gather(g + 1, sp1, b)

                @pl.when(g < NGROUP)
                def _():
                    for b in range(NB):
                        wait_gather(g, p, b)
                        store(g, p, b)

        for sp in range(NST):
            for b in range(NB):
                wait_store(sp, b)

    return k(tok2, idx3, pos2)


def kernel(x_ids, tok_weight, pos_weight):
    idx3 = (x_ids.astype(jnp.int32) * 2).reshape(NW, N_CHUNKS, CHUNK)
    tok2 = jnp.pad(tok_weight, ((0, 0), (0, D))).reshape(2 * VOCAB, D)
    pos2 = jnp.concatenate([pos_weight[:T], pos_weight[:CHUNK]], axis=0)
    out = _embed(tok2, idx3, pos2)
    return out[:, :D].reshape(B, T, D)

# --- scband reference (transcript-rebuilt; emitter-appended) ---
"""Pipeline reference for scband-toy-embed-86371792323172 (READ-ONLY COPY).

The authoritative reference and input builder live on the scoring server;
editing this copy changes nothing except your own understanding.
"""

import jax, jax.numpy as jnp
import numpy as np

VOCAB = 1000000
D_MODEL = 64
MAX_LEN = 4096
B = 4096
T = 200


def setup_inputs(seed: int = 0) -> dict:
    key = jax.random.key(seed)
    k1, k2, k3 = jax.random.split(key, 3)
    x_ids = jax.random.randint(k1, (B, T), 0, VOCAB, dtype=jnp.int64 if jax.config.jax_enable_x64 else jnp.int32)
    tok_weight = jax.random.normal(k2, (VOCAB, D_MODEL), dtype=jnp.float32) * 0.02
    pos_weight = jax.random.normal(k3, (MAX_LEN, D_MODEL), dtype=jnp.float32) * 0.02
    return {"x_ids": x_ids, "tok_weight": tok_weight, "pos_weight": pos_weight}


def reference(x_ids, tok_weight, pos_weight):
    Bc, Tc = x_ids.shape
    pos = jnp.arange(Tc)
    tok_emb = jnp.take(tok_weight, x_ids, axis=0)          # [B, T, D]
    pos_emb = jnp.take(pos_weight, pos, axis=0)[None, :, :]  # [1, T, D]
    return tok_emb + pos_emb

if __name__ == "__main__":
    import jax
    _d = setup_inputs()
    print(jax.jit(kernel)(*tuple(_d.values())))

</pallas_src>

<mosaic_0001>
#map = affine_map<(d0, d1) -> (0, 0)>
#map1 = affine_map<(d0, d1) -> (0, 0, 0)>
module attributes {stable_mosaic.version = 14 : i64} {
  func.func @k(%arg0: i32, %arg1: i32, %arg2: memref<2000000x64xf32, #tpu.memory_space<hbm>>, %arg3: memref<32x200x128xi32, #tpu.memory_space<hbm>>, %arg4: memref<328x64xf32, #tpu.memory_space<hbm>>, %arg5: memref<819200x128xf32, #tpu.memory_space<hbm>>, %arg6: memref<200x128xi32, #tpu.memory_space<vmem>>, %arg7: memref<6x128x64xf32, #tpu.memory_space<vmem>>, %arg8: memref<6x!tpu.dma_semaphore, #tpu.memory_space<semaphore_mem>>, %arg9: memref<6x!tpu.dma_semaphore, #tpu.memory_space<semaphore_mem>>, %arg10: memref<6x!tpu.dma_semaphore, #tpu.memory_space<semaphore_mem>>, %arg11: memref<328x64xf32, #tpu.memory_space<vmem_shared>>) attributes {dimension_semantics = [#tpu.dimension_semantics<core_parallel>, #tpu.dimension_semantics<subcore_parallel>], iteration_bounds = array<i64: 2, 16>, scalar_prefetch = 0 : i64, scratch_operands = 6 : i64, tpu.core_type = #tpu.core_type<sc_vector_subcore>, window_params = [{transform_indices = #map}, {transform_indices = #map1}, {transform_indices = #map}, {transform_indices = #map}]} {
    %mul3A = arith.constant 2 : i32
    %mul3A_0 = arith.muli %arg1, %mul3A : i32
    %add3A = arith.addi %mul3A_0, %arg0 : i32
    %mul3A_1 = arith.constant 25600 : i32
    %mul3A_2 = arith.muli %add3A, %mul3A_1 : i32
    %eq3A = arith.constant 0 : i32
    %eq3A_3 = arith.cmpi eq, %arg1, %eq3A : i32
    %convert_element_type3A = arith.extui %eq3A_3 : i1 to i32
    %cond3A = arith.constant 0 : i32
    %cond3A_4 = arith.cmpi ne, %convert_element_type3A, %cond3A : i32
    scf.if %cond3A_4 {
      "tpu.region"() ({
        %run_scoped3A = tpu.sem_alloc : memref<!tpu.dma_semaphore, #tpu.memory_space<semaphore_mem>>
        %dma_start3A_256 = arith.constant 0 : i32
        %dma_start3A_257 = arith.constant 0 : i32
        %dma_start3A_258 = tpu.memref_slice %arg4[%dma_start3A_256, %dma_start3A_257] : memref<328x64xf32, #tpu.memory_space<hbm>> -> memref<328x64xf32, #tpu.memory_space<hbm>>
        tpu.enqueue_dma source(%dma_start3A_258 : memref<328x64xf32, #tpu.memory_space<hbm>>) target(%arg11 : memref<328x64xf32, #tpu.memory_space<vmem_shared>>) target_semaphore(%run_scoped3A : memref<!tpu.dma_semaphore, #tpu.memory_space<semaphore_mem>>)
        %dma_wait3A_259 = arith.constant 0 : i32
        %dma_wait3A_260 = arith.constant 0 : i32
        %dma_wait3A_261 = tpu.memref_slice %arg4[%dma_wait3A_259, %dma_wait3A_260] : memref<328x64xf32, #tpu.memory_space<hbm>> -> memref<328x64xf32, #tpu.memory_space<hbm>>
        tpu.wait_dma2 semaphore(%run_scoped3A : memref<!tpu.dma_semaphore, #tpu.memory_space<semaphore_mem>>) src(%dma_wait3A_261 : memref<328x64xf32, #tpu.memory_space<hbm>>) dst(%arg11 : memref<328x64xf32, #tpu.memory_space<vmem_shared>>)
        tpu.yield
      }) : () -> ()
    } else {
    }
    "tpu.region"() ({
      %run_scoped3A = tpu.sem_alloc : memref<!tpu.dma_semaphore, #tpu.memory_space<semaphore_mem>>
      %dma_start3A_256 = arith.constant 0 : i32
      %dma_start3A_257 = arith.constant 0 : i32
      %dma_start3A_258 = tpu.memref_slice %arg3[%add3A, %dma_start3A_256, %dma_start3A_257] : memref<32x200x128xi32, #tpu.memory_space<hbm>> -> memref<1x200x128xi32, #tpu.memory_space<hbm>>
      %dma_start3A_259 = tpu.memref_squeeze %dma_start3A_258 : memref<1x200x128xi32, #tpu.memory_space<hbm>> -> memref<200x128xi32, #tpu.memory_space<hbm>>
      %dma_start3A_260 = arith.constant 0 : i32
      %dma_start3A_261 = arith.constant 0 : i32
      %dma_start3A_262 = tpu.memref_slice %arg3[%add3A, %dma_start3A_260, %dma_start3A_261] : memref<32x200x128xi32, #tpu.memory_space<hbm>> -> memref<1x200x128xi32, #tpu.memory_space<hbm>>
      %dma_start3A_263 = tpu.memref_squeeze %dma_start3A_262 : memref<1x200x128xi32, #tpu.memory_space<hbm>> -> memref<200x128xi32, #tpu.memory_space<hbm>>
      tpu.enqueue_dma source(%dma_start3A_263 : memref<200x128xi32, #tpu.memory_space<hbm>>) target(%arg6 : memref<200x128xi32, #tpu.memory_space<vmem>>) target_semaphore(%run_scoped3A : memref<!tpu.dma_semaphore, #tpu.memory_space<semaphore_mem>>)
      %dma_wait3A_264 = arith.constant 0 : i32
      %dma_wait3A_265 = arith.constant 0 : i32
      %dma_wait3A_266 = tpu.memref_slice %arg3[%add3A, %dma_wait3A_264, %dma_wait3A_265] : memref<32x200x128xi32, #tpu.memory_space<hbm>> -> memref<1x200x128xi32, #tpu.memory_space<hbm>>
      %dma_wait3A_267 = tpu.memref_squeeze %dma_wait3A_266 : memref<1x200x128xi32, #tpu.memory_space<hbm>> -> memref<200x128xi32, #tpu.memory_space<hbm>>
      %dma_wait3A_268 = arith.constant 0 : i32
      %dma_wait3A_269 = arith.constant 0 : i32
      %dma_wait3A_270 = tpu.memref_slice %arg3[%add3A, %dma_wait3A_268, %dma_wait3A_269] : memref<32x200x128xi32, #tpu.memory_space<hbm>> -> memref<1x200x128xi32, #tpu.memory_space<hbm>>
      %dma_wait3A_271 = tpu.memref_squeeze %dma_wait3A_270 : memref<1x200x128xi32, #tpu.memory_space<hbm>> -> memref<200x128xi32, #tpu.memory_space<hbm>>
      tpu.wait_dma2 semaphore(%run_scoped3A : memref<!tpu.dma_semaphore, #tpu.memory_space<semaphore_mem>>) src(%dma_wait3A_271 : memref<200x128xi32, #tpu.memory_space<hbm>>) dst(%arg6 : memref<200x128xi32, #tpu.memory_space<vmem>>)
      tpu.yield
    }) : () -> ()
    %barrier3A = arith.constant 0 : index
    tpu.barrier barrier_id(%barrier3A)
    %rem3A = arith.constant 0 : i32
    %rem3A_5 = arith.constant 200 : i32
    %rem3A_6 = arith.remsi %rem3A, %rem3A_5 : i32
    %dma_start3A = arith.constant 0 : i32
    %dma_start3A_7 = arith.constant 0 : i32
    %dma_start3A_8 = arith.constant 0 : i32
    %dma_start3A_9 = arith.constant 0 : i32
    %dma_start3A_10 = tpu.memref_slice %arg7[%dma_start3A, %dma_start3A_8, %dma_start3A_9] : memref<6x128x64xf32, #tpu.memory_space<vmem>> -> memref<1x128x64xf32, #tpu.memory_space<vmem>>
    %dma_start3A_11 = tpu.memref_squeeze %dma_start3A_10 : memref<1x128x64xf32, #tpu.memory_space<vmem>> -> memref<128x64xf32, #tpu.memory_space<vmem>>
    %dma_start3A_12 = arith.constant 0 : i32
    %dma_start3A_13 = tpu.memref_slice %arg11[%rem3A_6, %dma_start3A_12] : memref<328x64xf32, #tpu.memory_space<vmem_shared>> -> memref<128x64xf32, #tpu.memory_space<vmem_shared>>
    %dma_start3A_14 = tpu.memref_slice %arg8[%dma_start3A_7] : memref<6x!tpu.dma_semaphore, #tpu.memory_space<semaphore_mem>> -> memref<1x!tpu.dma_semaphore, #tpu.memory_space<semaphore_mem>>
    %dma_start3A_15 = tpu.memref_squeeze %dma_start3A_14 : memref<1x!tpu.dma_semaphore, #tpu.memory_space<semaphore_mem>> -> memref<!tpu.dma_semaphore, #tpu.memory_space<semaphore_mem>>
    %dma_start3A_16 = arith.constant 0 : i32
    %dma_start3A_17 = arith.constant 0 : i32
    %dma_start3A_18 = tpu.memref_slice %arg7[%dma_start3A, %dma_start3A_16, %dma_start3A_17] : memref<6x128x64xf32, #tpu.memory_space<vmem>> -> memref<1x128x64xf32, #tpu.memory_space<vmem>>
    %dma_start3A_19 = tpu.memref_squeeze %dma_start3A_18 : memref<1x128x64xf32, #tpu.memory_space<vmem>> -> memref<128x64xf32, #tpu.memory_space<vmem>>
    %dma_start3A_20 = arith.constant 0 : i32
    %dma_start3A_21 = tpu.memref_slice %arg11[%rem3A_6, %dma_start3A_20] : memref<328x64xf32, #tpu.memory_space<vmem_shared>> -> memref<128x64xf32, #tpu.memory_space<vmem_shared>>
    tpu.enqueue_dma source(%dma_start3A_21 : memref<128x64xf32, #tpu.memory_space<vmem_shared>>) target(%dma_start3A_19 : memref<128x64xf32, #tpu.memory_space<vmem>>) target_semaphore(%dma_start3A_15 : memref<!tpu.dma_semaphore, #tpu.memory_space<semaphore_mem>>)
    %rem3A_22 = arith.constant 128 : i32
    %rem3A_23 = arith.constant 200 : i32
    %rem3A_24 = arith.remsi %rem3A_22, %rem3A_23 : i32
    %dma_start3A_25 = arith.constant 1 : i32
    %dma_start3A_26 = arith.constant 1 : i32
    %dma_start3A_27 = arith.constant 0 : i32
    %dma_start3A_28 = arith.constant 0 : i32
    %dma_start3A_29 = tpu.memref_slice %arg7[%dma_start3A_25, %dma_start3A_27, %dma_start3A_28] : memref<6x128x64xf32, #tpu.memory_space<vmem>> -> memref<1x128x64xf32, #tpu.memory_space<vmem>>
    %dma_start3A_30 = tpu.memref_squeeze %dma_start3A_29 : memref<1x128x64xf32, #tpu.memory_space<vmem>> -> memref<128x64xf32, #tpu.memory_space<vmem>>
    %dma_start3A_31 = arith.constant 0 : i32
    %dma_start3A_32 = tpu.memref_slice %arg11[%rem3A_24, %dma_start3A_31] : memref<328x64xf32, #tpu.memory_space<vmem_shared>> -> memref<128x64xf32, #tpu.memory_space<vmem_shared>>
    %dma_start3A_33 = tpu.memref_slice %arg8[%dma_start3A_26] : memref<6x!tpu.dma_semaphore, #tpu.memory_space<semaphore_mem>> -> memref<1x!tpu.dma_semaphore, #tpu.memory_space<semaphore_mem>>
    %dma_start3A_34 = tpu.memref_squeeze %dma_start3A_33 : memref<1x!tpu.dma_semaphore, #tpu.memory_space<semaphore_mem>> -> memref<!tpu.dma_semaphore, #tpu.memory_space<semaphore_mem>>
    %dma_start3A_35 = arith.constant 0 : i32
    %dma_start3A_36 = arith.constant 0 : i32
    %dma_start3A_37 = tpu.memref_slice %arg7[%dma_start3A_25, %dma_start3A_35, %dma_start3A_36] : memref<6x128x64xf32, #tpu.memory_space<vmem>> -> memref<1x128x64xf32, #tpu.memory_space<vmem>>
    %dma_start3A_38 = tpu.memref_squeeze %dma_start3A_37 : memref<1x128x64xf32, #tpu.memory_space<vmem>> -> memref<128x64xf32, #tpu.memory_space<vmem>>
    %dma_start3A_39 = arith.constant 0 : i32
    %dma_start3A_40 = tpu.memref_slice %arg11[%rem3A_24, %dma_start3A_39] : memref<328x64xf32, #tpu.memory_space<vmem_shared>> -> memref<128x64xf32, #tpu.memory_space<vmem_shared>>
    tpu.enqueue_dma source(%dma_start3A_40 : memref<128x64xf32, #tpu.memory_space<vmem_shared>>) target(%dma_start3A_38 : memref<128x64xf32, #tpu.memory_space<vmem>>) target_semaphore(%dma_start3A_34 : memref<!tpu.dma_semaphore, #tpu.memory_space<semaphore_mem>>)
    %rem3A_41 = arith.constant 256 : i32
    %rem3A_42 = arith.constant 200 : i32
    %rem3A_43 = arith.remsi %rem3A_41, %rem3A_42 : i32
    %dma_start3A_44 = arith.constant 2 : i32
    %dma_start3A_45 = arith.constant 2 : i32
    %dma_start3A_46 = arith.constant 0 : i32
    %dma_start3A_47 = arith.constant 0 : i32
    %dma_start3A_48 = tpu.memref_slice %arg7[%dma_start3A_44, %dma_start3A_46, %dma_start3A_47] : memref<6x128x64xf32, #tpu.memory_space<vmem>> -> memref<1x128x64xf32, #tpu.memory_space<vmem>>
    %dma_start3A_49 = tpu.memref_squeeze %dma_start3A_48 : memref<1x128x64xf32, #tpu.memory_space<vmem>> -> memref<128x64xf32, #tpu.memory_space<vmem>>
    %dma_start3A_50 = arith.constant 0 : i32
    %dma_start3A_51 = tpu.memref_slice %arg11[%rem3A_43, %dma_start3A_50] : memref<328x64xf32, #tpu.memory_space<vmem_shared>> -> memref<128x64xf32, #tpu.memory_space<vmem_shared>>
    %dma_start3A_52 = tpu.memref_slice %arg8[%dma_start3A_45] : memref<6x!tpu.dma_semaphore, #tpu.memory_space<semaphore_mem>> -> memref<1x!tpu.dma_semaphore, #tpu.memory_space<semaphore_mem>>
    %dma_start3A_53 = tpu.memref_squeeze %dma_start3A_52 : memref<1x!tpu.dma_semaphore, #tpu.memory_space<semaphore_mem>> -> memref<!tpu.dma_semaphore, #tpu.memory_space<semaphore_mem>>
    %dma_start3A_54 = arith.constant 0 : i32
    %dma_start3A_55 = arith.constant 0 : i32
    %dma_start3A_56 = tpu.memref_slice %arg7[%dma_start3A_44, %dma_start3A_54, %dma_start3A_55] : memref<6x128x64xf32, #tpu.memory_space<vmem>> -> memref<1x128x64xf32, #tpu.memory_space<vmem>>
    %dma_start3A_57 = tpu.memref_squeeze %dma_start3A_56 : memref<1x128x64xf32, #tpu.memory_space<vmem>> -> memref<128x64xf32, #tpu.memory_space<vmem>>
    %dma_start3A_58 = arith.constant 0 : i32
    %dma_start3A_59 = tpu.memref_slice %arg11[%rem3A_43, %dma_start3A_58] : memref<328x64xf32, #tpu.memory_space<vmem_shared>> -> memref<128x64xf32, #tpu.memory_space<vmem_shared>>
    tpu.enqueue_dma source(%dma_start3A_59 : memref<128x64xf32, #tpu.memory_space<vmem_shared>>) target(%dma_start3A_57 : memref<128x64xf32, #tpu.memory_space<vmem>>) target_semaphore(%dma_start3A_53 : memref<!tpu.dma_semaphore, #tpu.memory_space<semaphore_mem>>)
    %rem3A_60 = arith.constant 384 : i32
    %rem3A_61 = arith.constant 200 : i32
    %rem3A_62 = arith.remsi %rem3A_60, %rem3A_61 : i32
    %dma_start3A_63 = arith.constant 3 : i32
    %dma_start3A_64 = arith.constant 3 : i32
    %dma_start3A_65 = arith.constant 0 : i32
    %dma_start3A_66 = arith.constant 0 : i32
    %dma_start3A_67 = tpu.memref_slice %arg7[%dma_start3A_63, %dma_start3A_65, %dma_start3A_66] : memref<6x128x64xf32, #tpu.memory_space<vmem>> -> memref<1x128x64xf32, #tpu.memory_space<vmem>>
    %dma_start3A_68 = tpu.memref_squeeze %dma_start3A_67 : memref<1x128x64xf32, #tpu.memory_space<vmem>> -> memref<128x64xf32, #tpu.memory_space<vmem>>
    %dma_start3A_69 = arith.constant 0 : i32
    %dma_start3A_70 = tpu.memref_slice %arg11[%rem3A_62, %dma_start3A_69] : memref<328x64xf32, #tpu.memory_space<vmem_shared>> -> memref<128x64xf32, #tpu.memory_space<vmem_shared>>
    %dma_start3A_71 = tpu.memref_slice %arg8[%dma_start3A_64] : memref<6x!tpu.dma_semaphore, #tpu.memory_space<semaphore_mem>> -> memref<1x!tpu.dma_semaphore, #tpu.memory_space<semaphore_mem>>
    %dma_start3A_72 = tpu.memref_squeeze %dma_start3A_71 : memref<1x!tpu.dma_semaphore, #tpu.memory_space<semaphore_mem>> -> memref<!tpu.dma_semaphore, #tpu.memory_space<semaphore_mem>>
    %dma_start3A_73 = arith.constant 0 : i32
    %dma_start3A_74 = arith.constant 0 : i32
    %dma_start3A_75 = tpu.memref_slice %arg7[%dma_start3A_63, %dma_start3A_73, %dma_start3A_74] : memref<6x128x64xf32, #tpu.memory_space<vmem>> -> memref<1x128x64xf32, #tpu.memory_space<vmem>>
    %dma_start3A_76 = tpu.memref_squeeze %dma_start3A_75 : memref<1x128x64xf32, #tpu.memory_space<vmem>> -> memref<128x64xf32, #tpu.memory_space<vmem>>
    %dma_start3A_77 = arith.constant 0 : i32
    %dma_start3A_78 = tpu.memref_slice %arg11[%rem3A_62, %dma_start3A_77] : memref<328x64xf32, #tpu.memory_space<vmem_shared>> -> memref<128x64xf32, #tpu.memory_space<vmem_shared>>
    tpu.enqueue_dma source(%dma_start3A_78 : memref<128x64xf32, #tpu.memory_space<vmem_shared>>) target(%dma_start3A_76 : memref<128x64xf32, #tpu.memory_space<vmem>>) target_semaphore(%dma_start3A_72 : memref<!tpu.dma_semaphore, #tpu.memory_space<semaphore_mem>>)
    %dma_wait3A = arith.constant 0 : i32
    %dma_wait3A_79 = arith.constant 0 : i32
    %dma_wait3A_80 = arith.constant 0 : i32
    %dma_wait3A_81 = arith.constant 0 : i32
    %dma_wait3A_82 = tpu.memref_slice %arg7[%dma_wait3A, %dma_wait3A_80, %dma_wait3A_81] : memref<6x128x64xf32, #tpu.memory_space<vmem>> -> memref<1x128x64xf32, #tpu.memory_space<vmem>>
    %dma_wait3A_83 = tpu.memref_squeeze %dma_wait3A_82 : memref<1x128x64xf32, #tpu.memory_space<vmem>> -> memref<128x64xf32, #tpu.memory_space<vmem>>
    %dma_wait3A_84 = arith.constant 0 : i32
    %dma_wait3A_85 = arith.constant 0 : i32
    %dma_wait3A_86 = tpu.memref_slice %arg11[%dma_wait3A_84, %dma_wait3A_85] : memref<328x64xf32, #tpu.memory_space<vmem_shared>> -> memref<128x64xf32, #tpu.memory_space<vmem_shared>>
    %dma_wait3A_87 = tpu.memref_slice %arg8[%dma_wait3A_79] : memref<6x!tpu.dma_semaphore, #tpu.memory_space<semaphore_mem>> -> memref<1x!tpu.dma_semaphore, #tpu.memory_space<semaphore_mem>>
    %dma_wait3A_88 = tpu.memref_squeeze %dma_wait3A_87 : memref<1x!tpu.dma_semaphore, #tpu.memory_space<semaphore_mem>> -> memref<!tpu.dma_semaphore, #tpu.memory_space<semaphore_mem>>
    %dma_wait3A_89 = arith.constant 0 : i32
    %dma_wait3A_90 = arith.constant 0 : i32
    %dma_wait3A_91 = tpu.memref_slice %arg7[%dma_wait3A, %dma_wait3A_89, %dma_wait3A_90] : memref<6x128x64xf32, #tpu.memory_space<vmem>> -> memref<1x128x64xf32, #tpu.memory_space<vmem>>
    %dma_wait3A_92 = tpu.memref_squeeze %dma_wait3A_91 : memref<1x128x64xf32, #tpu.memory_space<vmem>> -> memref<128x64xf32, #tpu.memory_space<vmem>>
    %dma_wait3A_93 = arith.constant 0 : i32
    %dma_wait3A_94 = arith.constant 0 : i32
    %dma_wait3A_95 = tpu.memref_slice %arg11[%dma_wait3A_93, %dma_wait3A_94] : memref<328x64xf32, #tpu.memory_space<vmem_shared>> -> memref<128x64xf32, #tpu.memory_space<vmem_shared>>
    tpu.wait_dma2 semaphore(%dma_wait3A_88 : memref<!tpu.dma_semaphore, #tpu.memory_space<semaphore_mem>>) src(%dma_wait3A_95 : memref<128x64xf32, #tpu.memory_space<vmem_shared>>) dst(%dma_wait3A_92 : memref<128x64xf32, #tpu.memory_space<vmem>>)
    %dma_start3A_96 = arith.constant 0 : i32
    %dma_start3A_97 = arith.constant 0 : i32
    %dma_start3A_98 = arith.constant 0 : i32
    %dma_start3A_99 = arith.constant 0 : i32
    %dma_start3A_100 = arith.constant 0 : i32
    %dma_start3A_101 = tpu.memref_slice %arg7[%dma_start3A_97, %dma_start3A_99, %dma_start3A_100] : memref<6x128x64xf32, #tpu.memory_space<vmem>> -> memref<1x128x64xf32, #tpu.memory_space<vmem>>
    %dma_start3A_102 = tpu.memref_squeeze %dma_start3A_101 : memref<1x128x64xf32, #tpu.memory_space<vmem>> -> memref<128x64xf32, #tpu.memory_space<vmem>>
    %dma_start3A_103 = arith.constant 0 : i32
    %dma_start3A_104 = tpu.memref_slice %arg6[%dma_start3A_96, %dma_start3A_103] : memref<200x128xi32, #tpu.memory_space<vmem>> -> memref<1x128xi32, #tpu.memory_space<vmem>>
    %dma_start3A_105 = tpu.memref_squeeze %dma_start3A_104 : memref<1x128xi32, #tpu.memory_space<vmem>> -> memref<128xi32, #tpu.memory_space<vmem>>
    %dma_start3A_106 = arith.constant 0 : i32
    %dma_start3A_107 = arith.constant 0 : i32
    %dma_start3A_108 = tpu.memref_slice %arg2[%dma_start3A_106, %dma_start3A_107] : memref<2000000x64xf32, #tpu.memory_space<hbm>> -> memref<2000000x64xf32, #tpu.memory_space<hbm>>
    %dma_start3A_109 = tpu.memref_slice %arg9[%dma_start3A_98] : memref<6x!tpu.dma_semaphore, #tpu.memory_space<semaphore_mem>> -> memref<1x!tpu.dma_semaphore, #tpu.memory_space<semaphore_mem>>
    %dma_start3A_110 = tpu.memref_squeeze %dma_start3A_109 : memref<1x!tpu.dma_semaphore, #tpu.memory_space<semaphore_mem>> -> memref<!tpu.dma_semaphore, #tpu.memory_space<semaphore_mem>>
    tpu.enqueue_indirect_dma source(%dma_start3A_108 : memref<2000000x64xf32, #tpu.memory_space<hbm>>) target(%dma_start3A_102 : memref<128x64xf32, #tpu.memory_space<vmem>>) offsets(%dma_start3A_105 : memref<128xi32, #tpu.memory_space<vmem>>) semaphore(%dma_start3A_110 : memref<!tpu.dma_semaphore, #tpu.memory_space<semaphore_mem>>) {add = true}
    %dma_wait3A_111 = arith.constant 1 : i32
    %dma_wait3A_112 = arith.constant 1 : i32
    %dma_wait3A_113 = arith.constant 0 : i32
    %dma_wait3A_114 = arith.constant 0 : i32
    %dma_wait3A_115 = tpu.memref_slice %arg7[%dma_wait3A_111, %dma_wait3A_113, %dma_wait3A_114] : memref<6x128x64xf32, #tpu.memory_space<vmem>> -> memref<1x128x64xf32, #tpu.memory_space<vmem>>
    %dma_wait3A_116 = tpu.memref_squeeze %dma_wait3A_115 : memref<1x128x64xf32, #tpu.memory_space<vmem>> -> memref<128x64xf32, #tpu.memory_space<vmem>>
    %dma_wait3A_117 = arith.constant 0 : i32
    %dma_wait3A_118 = arith.constant 0 : i32
    %dma_wait3A_119 = tpu.memref_slice %arg11[%dma_wait3A_117, %dma_wait3A_118] : memref<328x64xf32, #tpu.memory_space<vmem_shared>> -> memref<128x64xf32, #tpu.memory_space<vmem_shared>>
    %dma_wait3A_120 = tpu.memref_slice %arg8[%dma_wait3A_112] : memref<6x!tpu.dma_semaphore, #tpu.memory_space<semaphore_mem>> -> memref<1x!tpu.dma_semaphore, #tpu.memory_space<semaphore_mem>>
    %dma_wait3A_121 = tpu.memref_squeeze %dma_wait3A_120 : memref<1x!tpu.dma_semaphore, #tpu.memory_space<semaphore_mem>> -> memref<!tpu.dma_semaphore, #tpu.memory_space<semaphore_mem>>
    %dma_wait3A_122 = arith.constant 0 : i32
    %dma_wait3A_123 = arith.constant 0 : i32
    %dma_wait3A_124 = tpu.memref_slice %arg7[%dma_wait3A_111, %dma_wait3A_122, %dma_wait3A_123] : memref<6x128x64xf32, #tpu.memory_space<vmem>> -> memref<1x128x64xf32, #tpu.memory_space<vmem>>
    %dma_wait3A_125 = tpu.memref_squeeze %dma_wait3A_124 : memref<1x128x64xf32, #tpu.memory_space<vmem>> -> memref<128x64xf32, #tpu.memory_space<vmem>>
    %dma_wait3A_126 = arith.constant 0 : i32
    %dma_wait3A_127 = arith.constant 0 : i32
    %dma_wait3A_128 = tpu.memref_slice %arg11[%dma_wait3A_126, %dma_wait3A_127] : memref<328x64xf32, #tpu.memory_space<vmem_shared>> -> memref<128x64xf32, #tpu.memory_space<vmem_shared>>
    tpu.wait_dma2 semaphore(%dma_wait3A_121 : memref<!tpu.dma_semaphore, #tpu.memory_space<semaphore_mem>>) src(%dma_wait3A_128 : memref<128x64xf32, #tpu.memory_space<vmem_shared>>) dst(%dma_wait3A_125 : memref<128x64xf32, #tpu.memory_space<vmem>>)
    %dma_start3A_129 = arith.constant 1 : i32
    %dma_start3A_130 = arith.constant 1 : i32
    %dma_start3A_131 = arith.constant 1 : i32
    %dma_start3A_132 = arith.constant 0 : i32
    %dma_start3A_133 = arith.constant 0 : i32
    %dma_start3A_134 = tpu.memref_slice %arg7[%dma_start3A_130, %dma_start3A_132, %dma_start3A_133] : memref<6x128x64xf32, #tpu.memory_space<vmem>> -> memref<1x128x64xf32, #tpu.memory_space<vmem>>
    %dma_start3A_135 = tpu.memref_squeeze %dma_start3A_134 : memref<1x128x64xf32, #tpu.memory_space<vmem>> -> memref<128x64xf32, #tpu.memory_space<vmem>>
    %dma_start3A_136 = arith.constant 0 : i32
    %dma_start3A_137 = tpu.memref_slice %arg6[%dma_start3A_129, %dma_start3A_136] : memref<200x128xi32, #tpu.memory_space<vmem>> -> memref<1x128xi32, #tpu.memory_space<vmem>>
    %dma_start3A_138 = tpu.memref_squeeze %dma_start3A_137 : memref<1x128xi32, #tpu.memory_space<vmem>> -> memref<128xi32, #tpu.memory_space<vmem>>
    %dma_start3A_139 = arith.constant 0 : i32
    %dma_start3A_140 = arith.constant 0 : i32
    %dma_start3A_141 = tpu.memref_slice %arg2[%dma_start3A_139, %dma_start3A_140] : memref<2000000x64xf32, #tpu.memory_space<hbm>> -> memref<2000000x64xf32, #tpu.memory_space<hbm>>
    %dma_start3A_142 = tpu.memref_slice %arg9[%dma_start3A_131] : memref<6x!tpu.dma_semaphore, #tpu.memory_space<semaphore_mem>> -> memref<1x!tpu.dma_semaphore, #tpu.memory_space<semaphore_mem>>
    %dma_start3A_143 = tpu.memref_squeeze %dma_start3A_142 : memref<1x!tpu.dma_semaphore, #tpu.memory_space<semaphore_mem>> -> memref<!tpu.dma_semaphore, #tpu.memory_space<semaphore_mem>>
    tpu.enqueue_indirect_dma source(%dma_start3A_141 : memref<2000000x64xf32, #tpu.memory_space<hbm>>) target(%dma_start3A_135 : memref<128x64xf32, #tpu.memory_space<vmem>>) offsets(%dma_start3A_138 : memref<128xi32, #tpu.memory_space<vmem>>) semaphore(%dma_start3A_143 : memref<!tpu.dma_semaphore, #tpu.memory_space<semaphore_mem>>) {add = true}
    %scan3A = arith.constant 0 : i32
    %scan3A_144 = arith.constant 34 : i32
    %scan3A_145 = arith.addi %scan3A, %scan3A_144 : i32
    %scan3A_146 = arith.constant 1 : i32
    scf.for %scan3A_256 = %scan3A to %scan3A_145 step %scan3A_146  : i32 {
      %mul3A_257 = arith.constant 1 : i32
      %mul3A_258 = arith.muli %scan3A_256, %mul3A_257 : i32
      %add3A_259 = arith.constant 0 : i32
      %add3A_260 = arith.addi %add3A_259, %mul3A_258 : i32
      %mul3A_261 = arith.constant 3 : i32
      %mul3A_262 = arith.muli %add3A_260, %mul3A_261 : i32
      %add3A_263 = arith.constant 0 : i32
      %add3A_264 = arith.addi %mul3A_262, %add3A_263 : i32
      %add3A_265 = arith.constant 2 : i32
      %add3A_266 = arith.addi %add3A_264, %add3A_265 : i32
      %lt3A = arith.constant 100 : i32
      %lt3A_267 = arith.cmpi slt, %add3A_266, %lt3A : i32
      %convert_element_type3A_268 = arith.extui %lt3A_267 : i1 to i32
      %cond3A_269 = arith.constant 0 : i32
      %cond3A_270 = arith.cmpi ne, %convert_element_type3A_268, %cond3A_269 : i32
      scf.if %cond3A_270 {
        %ge3A = arith.constant 1 : i32
        %ge3A_329 = arith.cmpi sge, %add3A_264, %ge3A : i32
        %convert_element_type3A_330 = arith.extui %ge3A_329 : i1 to i32
        %cond3A_331 = arith.constant 0 : i32
        %cond3A_332 = arith.cmpi ne, %convert_element_type3A_330, %cond3A_331 : i32
        scf.if %cond3A_332 {
          %dma_wait3A_390 = arith.constant 4 : i32
          %dma_wait3A_391 = arith.constant 4 : i32
          %dma_wait3A_392 = arith.constant 0 : i32
          %dma_wait3A_393 = arith.constant 0 : i32
          %dma_wait3A_394 = tpu.memref_slice %arg7[%dma_wait3A_390, %dma_wait3A_392, %dma_wait3A_393] : memref<6x128x64xf32, #tpu.memory_space<vmem>> -> memref<1x128x64xf32, #tpu.memory_space<vmem>>
          %dma_wait3A_395 = tpu.memref_squeeze %dma_wait3A_394 : memref<1x128x64xf32, #tpu.memory_space<vmem>> -> memref<128x64xf32, #tpu.memory_space<vmem>>
          %dma_wait3A_396 = arith.constant 0 : i32
          %dma_wait3A_397 = arith.constant 0 : i32
          %dma_wait3A_398 = tpu.memref_slice %arg4[%dma_wait3A_396, %dma_wait3A_397] : memref<328x64xf32, #tpu.memory_space<hbm>> -> memref<128x64xf32, #tpu.memory_space<hbm>>
          %dma_wait3A_399 = tpu.memref_slice %arg10[%dma_wait3A_391] : memref<6x!tpu.dma_semaphore, #tpu.memory_space<semaphore_mem>> -> memref<1x!tpu.dma_semaphore, #tpu.memory_space<semaphore_mem>>
          %dma_wait3A_400 = tpu.memref_squeeze %dma_wait3A_399 : memref<1x!tpu.dma_semaphore, #tpu.memory_space<semaphore_mem>> -> memref<!tpu.dma_semaphore, #tpu.memory_space<semaphore_mem>>
          %dma_wait3A_401 = arith.constant 0 : i32
          %dma_wait3A_402 = arith.constant 0 : i32
          %dma_wait3A_403 = tpu.memref_slice %arg7[%dma_wait3A_390, %dma_wait3A_401, %dma_wait3A_402] : memref<6x128x64xf32, #tpu.memory_space<vmem>> -> memref<1x128x64xf32, #tpu.memory_space<vmem>>
          %dma_wait3A_404 = tpu.memref_squeeze %dma_wait3A_403 : memref<1x128x64xf32, #tpu.memory_space<vmem>> -> memref<128x64xf32, #tpu.memory_space<vmem>>
          %dma_wait3A_405 = arith.constant 0 : i32
          %dma_wait3A_406 = arith.constant 0 : i32
          %dma_wait3A_407 = tpu.memref_slice %arg4[%dma_wait3A_405, %dma_wait3A_406] : memref<328x64xf32, #tpu.memory_space<hbm>> -> memref<128x64xf32, #tpu.memory_space<hbm>>
          tpu.wait_dma2 semaphore(%dma_wait3A_400 : memref<!tpu.dma_semaphore, #tpu.memory_space<semaphore_mem>>) src(%dma_wait3A_407 : memref<128x64xf32, #tpu.memory_space<hbm>>) dst(%dma_wait3A_404 : memref<128x64xf32, #tpu.memory_space<vmem>>)
        } else {
        }
        %add3A_333 = arith.constant 2 : i32
        %add3A_334 = arith.addi %add3A_264, %add3A_333 : i32
        %mul3A_335 = arith.constant 2 : i32
        %mul3A_336 = arith.muli %add3A_334, %mul3A_335 : i32
        %add3A_337 = arith.constant 0 : i32
        %add3A_338 = arith.addi %mul3A_336, %add3A_337 : i32
        %mul3A_339 = arith.constant 128 : i32
        %mul3A_340 = arith.muli %add3A_338, %mul3A_339 : i32
        %rem3A_341 = arith.constant 200 : i32
        %rem3A_342 = arith.remsi %mul3A_340, %rem3A_341 : i32
        %dma_start3A_343 = arith.constant 4 : i32
        %dma_start3A_344 = arith.constant 4 : i32
        %dma_start3A_345 = arith.constant 0 : i32
        %dma_start3A_346 = arith.constant 0 : i32
        %dma_start3A_347 = tpu.memref_slice %arg7[%dma_start3A_343, %dma_start3A_345, %dma_start3A_346] : memref<6x128x64xf32, #tpu.memory_space<vmem>> -> memref<1x128x64xf32, #tpu.memory_space<vmem>>
        %dma_start3A_348 = tpu.memref_squeeze %dma_start3A_347 : memref<1x128x64xf32, #tpu.memory_space<vmem>> -> memref<128x64xf32, #tpu.memory_space<vmem>>
        %dma_start3A_349 = arith.constant 0 : i32
        %dma_start3A_350 = tpu.memref_slice %arg11[%rem3A_342, %dma_start3A_349] : memref<328x64xf32, #tpu.memory_space<vmem_shared>> -> memref<128x64xf32, #tpu.memory_space<vmem_shared>>
        %dma_start3A_351 = tpu.memref_slice %arg8[%dma_start3A_344] : memref<6x!tpu.dma_semaphore, #tpu.memory_space<semaphore_mem>> -> memref<1x!tpu.dma_semaphore, #tpu.memory_space<semaphore_mem>>
        %dma_start3A_352 = tpu.memref_squeeze %dma_start3A_351 : memref<1x!tpu.dma_semaphore, #tpu.memory_space<semaphore_mem>> -> memref<!tpu.dma_semaphore, #tpu.memory_space<semaphore_mem>>
        %dma_start3A_353 = arith.constant 0 : i32
        %dma_start3A_354 = arith.constant 0 : i32
        %dma_start3A_355 = tpu.memref_slice %arg7[%dma_start3A_343, %dma_start3A_353, %dma_start3A_354] : memref<6x128x64xf32, #tpu.memory_space<vmem>> -> memref<1x128x64xf32, #tpu.memory_space<vmem>>
        %dma_start3A_356 = tpu.memref_squeeze %dma_start3A_355 : memref<1x128x64xf32, #tpu.memory_space<vmem>> -> memref<128x64xf32, #tpu.memory_space<vmem>>
        %dma_start3A_357 = arith.constant 0 : i32
        %dma_start3A_358 = tpu.memref_slice %arg11[%rem3A_342, %dma_start3A_357] : memref<328x64xf32, #tpu.memory_space<vmem_shared>> -> memref<128x64xf32, #tpu.memory_space<vmem_shared>>
        tpu.enqueue_dma source(%dma_start3A_358 : memref<128x64xf32, #tpu.memory_space<vmem_shared>>) target(%dma_start3A_356 : memref<128x64xf32, #tpu.memory_space<vmem>>) target_semaphore(%dma_start3A_352 : memref<!tpu.dma_semaphore, #tpu.memory_space<semaphore_mem>>)
        %ge3A_359 = arith.constant 1 : i32
        %ge3A_360 = arith.cmpi sge, %add3A_264, %ge3A_359 : i32
        %convert_element_type3A_361 = arith.extui %ge3A_360 : i1 to i32
        %cond3A_362 = arith.constant 0 : i32
        %cond3A_363 = arith.cmpi ne, %convert_element_type3A_361, %cond3A_362 : i32
        scf.if %cond3A_363 {
          %dma_wait3A_390 = arith.constant 5 : i32
          %dma_wait3A_391 = arith.constant 5 : i32
          %dma_wait3A_392 = arith.constant 0 : i32
          %dma_wait3A_393 = arith.constant 0 : i32
          %dma_wait3A_394 = tpu.memref_slice %arg7[%dma_wait3A_390, %dma_wait3A_392, %dma_wait3A_393] : memref<6x128x64xf32, #tpu.memory_space<vmem>> -> memref<1x128x64xf32, #tpu.memory_space<vmem>>
          %dma_wait3A_395 = tpu.memref_squeeze %dma_wait3A_394 : memref<1x128x64xf32, #tpu.memory_space<vmem>> -> memref<128x64xf32, #tpu.memory_space<vmem>>
          %dma_wait3A_396 = arith.constant 0 : i32
          %dma_wait3A_397 = arith.constant 0 : i32
          %dma_wait3A_398 = tpu.memref_slice %arg4[%dma_wait3A_396, %dma_wait3A_397] : memref<328x64xf32, #tpu.memory_space<hbm>> -> memref<128x64xf32, #tpu.memory_space<hbm>>
          %dma_wait3A_399 = tpu.memref_slice %arg10[%dma_wait3A_391] : memref<6x!tpu.dma_semaphore, #tpu.memory_space<semaphore_mem>> -> memref<1x!tpu.dma_semaphore, #tpu.memory_space<semaphore_mem>>
          %dma_wait3A_400 = tpu.memref_squeeze %dma_wait3A_399 : memref<1x!tpu.dma_semaphore, #tpu.memory_space<semaphore_mem>> -> memref<!tpu.dma_semaphore, #tpu.memory_space<semaphore_mem>>
          %dma_wait3A_401 = arith.constant 0 : i32
          %dma_wait3A_402 = arith.constant 0 : i32
          %dma_wait3A_403 = tpu.memref_slice %arg7[%dma_wait3A_390, %dma_wait3A_401, %dma_wait3A_402] : memref<6x128x64xf32, #tpu.memory_space<vmem>> -> memref<1x128x64xf32, #tpu.memory_space<vmem>>
          %dma_wait3A_404 = tpu.memref_squeeze %dma_wait3A_403 : memref<1x128x64xf32, #tpu.memory_space<vmem>> -> memref<128x64xf32, #tpu.memory_space<vmem>>
          %dma_wait3A_405 = arith.constant 0 : i32
          %dma_wait3A_406 = arith.constant 0 : i32
          %dma_wait3A_407 = tpu.memref_slice %arg4[%dma_wait3A_405, %dma_wait3A_406] : memref<328x64xf32, #tpu.memory_space<hbm>> -> memref<128x64xf32, #tpu.memory_space<hbm>>
          tpu.wait_dma2 semaphore(%dma_wait3A_400 : memref<!tpu.dma_semaphore, #tpu.memory_space<semaphore_mem>>) src(%dma_wait3A_407 : memref<128x64xf32, #tpu.memory_space<hbm>>) dst(%dma_wait3A_404 : memref<128x64xf32, #tpu.memory_space<vmem>>)
        } else {
        }
        %add3A_364 = arith.constant 2 : i32
        %add3A_365 = arith.addi %add3A_264, %add3A_364 : i32
        %mul3A_366 = arith.constant 2 : i32
        %mul3A_367 = arith.muli %add3A_365, %mul3A_366 : i32
        %add3A_368 = arith.constant 1 : i32
        %add3A_369 = arith.addi %mul3A_367, %add3A_368 : i32
        %mul3A_370 = arith.constant 128 : i32
        %mul3A_371 = arith.muli %add3A_369, %mul3A_370 : i32
        %rem3A_372 = arith.constant 200 : i32
        %rem3A_373 = arith.remsi %mul3A_371, %rem3A_372 : i32
        %dma_start3A_374 = arith.constant 5 : i32
        %dma_start3A_375 = arith.constant 5 : i32
        %dma_start3A_376 = arith.constant 0 : i32
        %dma_start3A_377 = arith.constant 0 : i32
        %dma_start3A_378 = tpu.memref_slice %arg7[%dma_start3A_374, %dma_start3A_376, %dma_start3A_377] : memref<6x128x64xf32, #tpu.memory_space<vmem>> -> memref<1x128x64xf32, #tpu.memory_space<vmem>>
        %dma_start3A_379 = tpu.memref_squeeze %dma_start3A_378 : memref<1x128x64xf32, #tpu.memory_space<vmem>> -> memref<128x64xf32, #tpu.memory_space<vmem>>
        %dma_start3A_380 = arith.constant 0 : i32
        %dma_start3A_381 = tpu.memref_slice %arg11[%rem3A_373, %dma_start3A_380] : memref<328x64xf32, #tpu.memory_space<vmem_shared>> -> memref<128x64xf32, #tpu.memory_space<vmem_shared>>
        %dma_start3A_382 = tpu.memref_slice %arg8[%dma_start3A_375] : memref<6x!tpu.dma_semaphore, #tpu.memory_space<semaphore_mem>> -> memref<1x!tpu.dma_semaphore, #tpu.memory_space<semaphore_mem>>
        %dma_start3A_383 = tpu.memref_squeeze %dma_start3A_382 : memref<1x!tpu.dma_semaphore, #tpu.memory_space<semaphore_mem>> -> memref<!tpu.dma_semaphore, #tpu.memory_space<semaphore_mem>>
        %dma_start3A_384 = arith.constant 0 : i32
        %dma_start3A_385 = arith.constant 0 : i32
        %dma_start3A_386 = tpu.memref_slice %arg7[%dma_start3A_374, %dma_start3A_384, %dma_start3A_385] : memref<6x128x64xf32, #tpu.memory_space<vmem>> -> memref<1x128x64xf32, #tpu.memory_space<vmem>>
        %dma_start3A_387 = tpu.memref_squeeze %dma_start3A_386 : memref<1x128x64xf32, #tpu.memory_space<vmem>> -> memref<128x64xf32, #tpu.memory_space<vmem>>
        %dma_start3A_388 = arith.constant 0 : i32
        %dma_start3A_389 = tpu.memref_slice %arg11[%rem3A_373, %dma_start3A_388] : memref<328x64xf32, #tpu.memory_space<vmem_shared>> -> memref<128x64xf32, #tpu.memory_space<vmem_shared>>
        tpu.enqueue_dma source(%dma_start3A_389 : memref<128x64xf32, #tpu.memory_space<vmem_shared>>) target(%dma_start3A_387 : memref<128x64xf32, #tpu.memory_space<vmem>>) target_semaphore(%dma_start3A_383 : memref<!tpu.dma_semaphore, #tpu.memory_space<semaphore_mem>>)
      } else {
      }
      %add3A_271 = arith.constant 1 : i32
      %add3A_272 = arith.addi %add3A_264, %add3A_271 : i32
      %lt3A_273 = arith.constant 100 : i32
      %lt3A_274 = arith.cmpi slt, %add3A_272, %lt3A_273 : i32
      %convert_element_type3A_275 = arith.extui %lt3A_274 : i1 to i32
      %cond3A_276 = arith.constant 0 : i32
      %cond3A_277 = arith.cmpi ne, %convert_element_type3A_275, %cond3A_276 : i32
      scf.if %cond3A_277 {
        %dma_wait3A_329 = arith.constant 2 : i32
        %dma_wait3A_330 = arith.constant 2 : i32
        %dma_wait3A_331 = arith.constant 0 : i32
        %dma_wait3A_332 = arith.constant 0 : i32
        %dma_wait3A_333 = tpu.memref_slice %arg7[%dma_wait3A_329, %dma_wait3A_331, %dma_wait3A_332] : memref<6x128x64xf32, #tpu.memory_space<vmem>> -> memref<1x128x64xf32, #tpu.memory_space<vmem>>
        %dma_wait3A_334 = tpu.memref_squeeze %dma_wait3A_333 : memref<1x128x64xf32, #tpu.memory_space<vmem>> -> memref<128x64xf32, #tpu.memory_space<vmem>>
        %dma_wait3A_335 = arith.constant 0 : i32
        %dma_wait3A_336 = arith.constant 0 : i32
        %dma_wait3A_337 = tpu.memref_slice %arg11[%dma_wait3A_335, %dma_wait3A_336] : memref<328x64xf32, #tpu.memory_space<vmem_shared>> -> memref<128x64xf32, #tpu.memory_space<vmem_shared>>
        %dma_wait3A_338 = tpu.memref_slice %arg8[%dma_wait3A_330] : memref<6x!tpu.dma_semaphore, #tpu.memory_space<semaphore_mem>> -> memref<1x!tpu.dma_semaphore, #tpu.memory_space<semaphore_mem>>
        %dma_wait3A_339 = tpu.memref_squeeze %dma_wait3A_338 : memref<1x!tpu.dma_semaphore, #tpu.memory_space<semaphore_mem>> -> memref<!tpu.dma_semaphore, #tpu.memory_space<semaphore_mem>>
        %dma_wait3A_340 = arith.constant 0 : i32
        %dma_wait3A_341 = arith.constant 0 : i32
        %dma_wait3A_342 = tpu.memref_slice %arg7[%dma_wait3A_329, %dma_wait3A_340, %dma_wait3A_341] : memref<6x128x64xf32, #tpu.memory_space<vmem>> -> memref<1x128x64xf32, #tpu.memory_space<vmem>>
        %dma_wait3A_343 = tpu.memref_squeeze %dma_wait3A_342 : memref<1x128x64xf32, #tpu.memory_space<vmem>> -> memref<128x64xf32, #tpu.memory_space<vmem>>
        %dma_wait3A_344 = arith.constant 0 : i32
        %dma_wait3A_345 = arith.constant 0 : i32
        %dma_wait3A_346 = tpu.memref_slice %arg11[%dma_wait3A_344, %dma_wait3A_345] : memref<328x64xf32, #tpu.memory_space<vmem_shared>> -> memref<128x64xf32, #tpu.memory_space<vmem_shared>>
        tpu.wait_dma2 semaphore(%dma_wait3A_339 : memref<!tpu.dma_semaphore, #tpu.memory_space<semaphore_mem>>) src(%dma_wait3A_346 : memref<128x64xf32, #tpu.memory_space<vmem_shared>>) dst(%dma_wait3A_343 : memref<128x64xf32, #tpu.memory_space<vmem>>)
        %add3A_347 = arith.constant 1 : i32
        %add3A_348 = arith.addi %add3A_264, %add3A_347 : i32
        %mul3A_349 = arith.constant 2 : i32
        %mul3A_350 = arith.muli %add3A_348, %mul3A_349 : i32
        %add3A_351 = arith.constant 0 : i32
        %add3A_352 = arith.addi %mul3A_350, %add3A_351 : i32
        %dma_start3A_353 = arith.constant 2 : i32
        %dma_start3A_354 = arith.constant 2 : i32
        %dma_start3A_355 = arith.constant 0 : i32
        %dma_start3A_356 = arith.constant 0 : i32
        %dma_start3A_357 = tpu.memref_slice %arg7[%dma_start3A_353, %dma_start3A_355, %dma_start3A_356] : memref<6x128x64xf32, #tpu.memory_space<vmem>> -> memref<1x128x64xf32, #tpu.memory_space<vmem>>
        %dma_start3A_358 = tpu.memref_squeeze %dma_start3A_357 : memref<1x128x64xf32, #tpu.memory_space<vmem>> -> memref<128x64xf32, #tpu.memory_space<vmem>>
        %dma_start3A_359 = arith.constant 0 : i32
        %dma_start3A_360 = tpu.memref_slice %arg6[%add3A_352, %dma_start3A_359] : memref<200x128xi32, #tpu.memory_space<vmem>> -> memref<1x128xi32, #tpu.memory_space<vmem>>
        %dma_start3A_361 = tpu.memref_squeeze %dma_start3A_360 : memref<1x128xi32, #tpu.memory_space<vmem>> -> memref<128xi32, #tpu.memory_space<vmem>>
        %dma_start3A_362 = arith.constant 0 : i32
        %dma_start3A_363 = arith.constant 0 : i32
        %dma_start3A_364 = tpu.memref_slice %arg2[%dma_start3A_362, %dma_start3A_363] : memref<2000000x64xf32, #tpu.memory_space<hbm>> -> memref<2000000x64xf32, #tpu.memory_space<hbm>>
        %dma_start3A_365 = tpu.memref_slice %arg9[%dma_start3A_354] : memref<6x!tpu.dma_semaphore, #tpu.memory_space<semaphore_mem>> -> memref<1x!tpu.dma_semaphore, #tpu.memory_space<semaphore_mem>>
        %dma_start3A_366 = tpu.memref_squeeze %dma_start3A_365 : memref<1x!tpu.dma_semaphore, #tpu.memory_space<semaphore_mem>> -> memref<!tpu.dma_semaphore, #tpu.memory_space<semaphore_mem>>
        tpu.enqueue_indirect_dma source(%dma_start3A_364 : memref<2000000x64xf32, #tpu.memory_space<hbm>>) target(%dma_start3A_358 : memref<128x64xf32, #tpu.memory_space<vmem>>) offsets(%dma_start3A_361 : memref<128xi32, #tpu.memory_space<vmem>>) semaphore(%dma_start3A_366 : memref<!tpu.dma_semaphore, #tpu.memory_space<semaphore_mem>>) {add = true}
        %dma_wait3A_367 = arith.constant 3 : i32
        %dma_wait3A_368 = arith.constant 3 : i32
        %dma_wait3A_369 = arith.constant 0 : i32
        %dma_wait3A_370 = arith.constant 0 : i32
        %dma_wait3A_371 = tpu.memref_slice %arg7[%dma_wait3A_367, %dma_wait3A_369, %dma_wait3A_370] : memref<6x128x64xf32, #tpu.memory_space<vmem>> -> memref<1x128x64xf32, #tpu.memory_space<vmem>>
        %dma_wait3A_372 = tpu.memref_squeeze %dma_wait3A_371 : memref<1x128x64xf32, #tpu.memory_space<vmem>> -> memref<128x64xf32, #tpu.memory_space<vmem>>
        %dma_wait3A_373 = arith.constant 0 : i32
        %dma_wait3A_374 = arith.constant 0 : i32
        %dma_wait3A_375 = tpu.memref_slice %arg11[%dma_wait3A_373, %dma_wait3A_374] : memref<328x64xf32, #tpu.memory_space<vmem_shared>> -> memref<128x64xf32, #tpu.memory_space<vmem_shared>>
        %dma_wait3A_376 = tpu.memref_slice %arg8[%dma_wait3A_368] : memref<6x!tpu.dma_semaphore, #tpu.memory_space<semaphore_mem>> -> memref<1x!tpu.dma_semaphore, #tpu.memory_space<semaphore_mem>>
        %dma_wait3A_377 = tpu.memref_squeeze %dma_wait3A_376 : memref<1x!tpu.dma_semaphore, #tpu.memory_space<semaphore_mem>> -> memref<!tpu.dma_semaphore, #tpu.memory_space<semaphore_mem>>
        %dma_wait3A_378 = arith.constant 0 : i32
        %dma_wait3A_379 = arith.constant 0 : i32
        %dma_wait3A_380 = tpu.memref_slice %arg7[%dma_wait3A_367, %dma_wait3A_378, %dma_wait3A_379] : memref<6x128x64xf32, #tpu.memory_space<vmem>> -> memref<1x128x64xf32, #tpu.memory_space<vmem>>
        %dma_wait3A_381 = tpu.memref_squeeze %dma_wait3A_380 : memref<1x128x64xf32, #tpu.memory_space<vmem>> -> memref<128x64xf32, #tpu.memory_space<vmem>>
        %dma_wait3A_382 = arith.constant 0 : i32
        %dma_wait3A_383 = arith.constant 0 : i32
        %dma_wait3A_384 = tpu.memref_slice %arg11[%dma_wait3A_382, %dma_wait3A_383] : memref<328x64xf32, #tpu.memory_space<vmem_shared>> -> memref<128x64xf32, #tpu.memory_space<vmem_shared>>
        tpu.wait_dma2 semaphore(%dma_wait3A_377 : memref<!tpu.dma_semaphore, #tpu.memory_space<semaphore_mem>>) src(%dma_wait3A_384 : memref<128x64xf32, #tpu.memory_space<vmem_shared>>) dst(%dma_wait3A_381 : memref<128x64xf32, #tpu.memory_space<vmem>>)
        %add3A_385 = arith.constant 1 : i32
        %add3A_386 = arith.addi %add3A_264, %add3A_385 : i32
        %mul3A_387 = arith.constant 2 : i32
        %mul3A_388 = arith.muli %add3A_386, %mul3A_387 : i32
        %add3A_389 = arith.constant 1 : i32
        %add3A_390 = arith.addi %mul3A_388, %add3A_389 : i32
        %dma_start3A_391 = arith.constant 3 : i32
        %dma_start3A_392 = arith.constant 3 : i32
        %dma_start3A_393 = arith.constant 0 : i32
        %dma_start3A_394 = arith.constant 0 : i32
        %dma_start3A_395 = tpu.memref_slice %arg7[%dma_start3A_391, %dma_start3A_393, %dma_start3A_394] : memref<6x128x64xf32, #tpu.memory_space<vmem>> -> memref<1x128x64xf32, #tpu.memory_space<vmem>>
        %dma_start3A_396 = tpu.memref_squeeze %dma_start3A_395 : memref<1x128x64xf32, #tpu.memory_space<vmem>> -> memref<128x64xf32, #tpu.memory_space<vmem>>
        %dma_start3A_397 = arith.constant 0 : i32
        %dma_start3A_398 = tpu.memref_slice %arg6[%add3A_390, %dma_start3A_397] : memref<200x128xi32, #tpu.memory_space<vmem>> -> memref<1x128xi32, #tpu.memory_space<vmem>>
        %dma_start3A_399 = tpu.memref_squeeze %dma_start3A_398 : memref<1x128xi32, #tpu.memory_space<vmem>> -> memref<128xi32, #tpu.memory_space<vmem>>
        %dma_start3A_400 = arith.constant 0 : i32
        %dma_start3A_401 = arith.constant 0 : i32
        %dma_start3A_402 = tpu.memref_slice %arg2[%dma_start3A_400, %dma_start3A_401] : memref<2000000x64xf32, #tpu.memory_space<hbm>> -> memref<2000000x64xf32, #tpu.memory_space<hbm>>
        %dma_start3A_403 = tpu.memref_slice %arg9[%dma_start3A_392] : memref<6x!tpu.dma_semaphore, #tpu.memory_space<semaphore_mem>> -> memref<1x!tpu.dma_semaphore, #tpu.memory_space<semaphore_mem>>
        %dma_start3A_404 = tpu.memref_squeeze %dma_start3A_403 : memref<1x!tpu.dma_semaphore, #tpu.memory_space<semaphore_mem>> -> memref<!tpu.dma_semaphore, #tpu.memory_space<semaphore_mem>>
        tpu.enqueue_indirect_dma source(%dma_start3A_402 : memref<2000000x64xf32, #tpu.memory_space<hbm>>) target(%dma_start3A_396 : memref<128x64xf32, #tpu.memory_space<vmem>>) offsets(%dma_start3A_399 : memref<128xi32, #tpu.memory_space<vmem>>) semaphore(%dma_start3A_404 : memref<!tpu.dma_semaphore, #tpu.memory_space<semaphore_mem>>) {add = true}
      } else {
      }
      %lt3A_278 = arith.constant 100 : i32
      %lt3A_279 = arith.cmpi slt, %add3A_264, %lt3A_278 : i32
      %convert_element_type3A_280 = arith.extui %lt3A_279 : i1 to i32
      %cond3A_281 = arith.constant 0 : i32
      %cond3A_282 = arith.cmpi ne, %convert_element_type3A_280, %cond3A_281 : i32
      scf.if %cond3A_282 {
        %mul3A_329 = arith.constant 2 : i32
        %mul3A_330 = arith.muli %add3A_264, %mul3A_329 : i32
        %add3A_331 = arith.constant 0 : i32
        %add3A_332 = arith.addi %mul3A_330, %add3A_331 : i32
        %dma_wait3A_333 = arith.constant 0 : i32
        %dma_wait3A_334 = arith.constant 0 : i32
        %dma_wait3A_335 = arith.constant 0 : i32
        %dma_wait3A_336 = arith.constant 0 : i32
        %dma_wait3A_337 = tpu.memref_slice %arg7[%dma_wait3A_333, %dma_wait3A_335, %dma_wait3A_336] : memref<6x128x64xf32, #tpu.memory_space<vmem>> -> memref<1x128x64xf32, #tpu.memory_space<vmem>>
        %dma_wait3A_338 = tpu.memref_squeeze %dma_wait3A_337 : memref<1x128x64xf32, #tpu.memory_space<vmem>> -> memref<128x64xf32, #tpu.memory_space<vmem>>
        %dma_wait3A_339 = arith.constant 0 : i32
        %dma_wait3A_340 = tpu.memref_slice %arg6[%add3A_332, %dma_wait3A_339] : memref<200x128xi32, #tpu.memory_space<vmem>> -> memref<1x128xi32, #tpu.memory_space<vmem>>
        %dma_wait3A_341 = tpu.memref_squeeze %dma_wait3A_340 : memref<1x128xi32, #tpu.memory_space<vmem>> -> memref<128xi32, #tpu.memory_space<vmem>>
        %dma_wait3A_342 = arith.constant 0 : i32
        %dma_wait3A_343 = arith.constant 0 : i32
        %dma_wait3A_344 = tpu.memref_slice %arg2[%dma_wait3A_342, %dma_wait3A_343] : memref<2000000x64xf32, #tpu.memory_space<hbm>> -> memref<2000000x64xf32, #tpu.memory_space<hbm>>
        %dma_wait3A_345 = tpu.memref_slice %arg9[%dma_wait3A_334] : memref<6x!tpu.dma_semaphore, #tpu.memory_space<semaphore_mem>> -> memref<1x!tpu.dma_semaphore, #tpu.memory_space<semaphore_mem>>
        %dma_wait3A_346 = tpu.memref_squeeze %dma_wait3A_345 : memref<1x!tpu.dma_semaphore, #tpu.memory_space<semaphore_mem>> -> memref<!tpu.dma_semaphore, #tpu.memory_space<semaphore_mem>>
        tpu.wait_indirect_dma semaphore(%dma_wait3A_346 : memref<!tpu.dma_semaphore, #tpu.memory_space<semaphore_mem>>) src(%dma_wait3A_344 : memref<2000000x64xf32, #tpu.memory_space<hbm>>) dst(%dma_wait3A_338 : memref<128x64xf32, #tpu.memory_space<vmem>>)
        %mul3A_347 = arith.constant 2 : i32
        %mul3A_348 = arith.muli %add3A_264, %mul3A_347 : i32
        %add3A_349 = arith.constant 0 : i32
        %add3A_350 = arith.addi %mul3A_348, %add3A_349 : i32
        %mul3A_351 = arith.constant 128 : i32
        %mul3A_352 = arith.muli %add3A_350, %mul3A_351 : i32
        %add3A_353 = arith.addi %mul3A_2, %mul3A_352 : i32
        %dma_start3A_354 = arith.constant 0 : i32
        %dma_start3A_355 = arith.constant 0 : i32
        %dma_start3A_356 = arith.constant 0 : i32
        %dma_start3A_357 = arith.constant 0 : i32
        %dma_start3A_358 = tpu.memref_slice %arg7[%dma_start3A_354, %dma_start3A_356, %dma_start3A_357] : memref<6x128x64xf32, #tpu.memory_space<vmem>> -> memref<1x128x64xf32, #tpu.memory_space<vmem>>
        %dma_start3A_359 = tpu.memref_squeeze %dma_start3A_358 : memref<1x128x64xf32, #tpu.memory_space<vmem>> -> memref<128x64xf32, #tpu.memory_space<vmem>>
        %dma_start3A_360 = arith.constant 0 : i32
        %dma_start3A_361 = tpu.memref_slice %arg5[%add3A_353, %dma_start3A_360] : memref<819200x128xf32, #tpu.memory_space<hbm>> -> memref<128x64xf32, #tpu.memory_space<hbm>>
        %dma_start3A_362 = tpu.memref_slice %arg10[%dma_start3A_355] : memref<6x!tpu.dma_semaphore, #tpu.memory_space<semaphore_mem>> -> memref<1x!tpu.dma_semaphore, #tpu.memory_space<semaphore_mem>>
        %dma_start3A_363 = tpu.memref_squeeze %dma_start3A_362 : memref<1x!tpu.dma_semaphore, #tpu.memory_space<semaphore_mem>> -> memref<!tpu.dma_semaphore, #tpu.memory_space<semaphore_mem>>
        %dma_start3A_364 = arith.constant 0 : i32
        %dma_start3A_365 = tpu.memref_slice %arg5[%add3A_353, %dma_start3A_364] : memref<819200x128xf32, #tpu.memory_space<hbm>> -> memref<128x64xf32, #tpu.memory_space<hbm>>
        %dma_start3A_366 = arith.constant 0 : i32
        %dma_start3A_367 = arith.constant 0 : i32
        %dma_start3A_368 = tpu.memref_slice %arg7[%dma_start3A_354, %dma_start3A_366, %dma_start3A_367] : memref<6x128x64xf32, #tpu.memory_space<vmem>> -> memref<1x128x64xf32, #tpu.memory_space<vmem>>
        %dma_start3A_369 = tpu.memref_squeeze %dma_start3A_368 : memref<1x128x64xf32, #tpu.memory_space<vmem>> -> memref<128x64xf32, #tpu.memory_space<vmem>>
        tpu.enqueue_dma source(%dma_start3A_369 : memref<128x64xf32, #tpu.memory_space<vmem>>) target(%dma_start3A_365 : memref<128x64xf32, #tpu.memory_space<hbm>>) target_semaphore(%dma_start3A_363 : memref<!tpu.dma_semaphore, #tpu.memory_space<semaphore_mem>>)
        %mul3A_370 = arith.constant 2 : i32
        %mul3A_371 = arith.muli %add3A_264, %mul3A_370 : i32
        %add3A_372 = arith.constant 1 : i32
        %add3A_373 = arith.addi %mul3A_371, %add3A_372 : i32
        %dma_wait3A_374 = arith.constant 1 : i32
        %dma_wait3A_375 = arith.constant 1 : i32
        %dma_wait3A_376 = arith.constant 0 : i32
        %dma_wait3A_377 = arith.constant 0 : i32
        %dma_wait3A_378 = tpu.memref_slice %arg7[%dma_wait3A_374, %dma_wait3A_376, %dma_wait3A_377] : memref<6x128x64xf32, #tpu.memory_space<vmem>> -> memref<1x128x64xf32, #tpu.memory_space<vmem>>
        %dma_wait3A_379 = tpu.memref_squeeze %dma_wait3A_378 : memref<1x128x64xf32, #tpu.memory_space<vmem>> -> memref<128x64xf32, #tpu.memory_space<vmem>>
        %dma_wait3A_380 = arith.constant 0 : i32
        %dma_wait3A_381 = tpu.memref_slice %arg6[%add3A_373, %dma_wait3A_380] : memref<200x128xi32, #tpu.memory_space<vmem>> -> memref<1x128xi32, #tpu.memory_space<vmem>>
        %dma_wait3A_382 = tpu.memref_squeeze %dma_wait3A_381 : memref<1x128xi32, #tpu.memory_space<vmem>> -> memref<128xi32, #tpu.memory_space<vmem>>
        %dma_wait3A_383 = arith.constant 0 : i32
        %dma_wait3A_384 = arith.constant 0 : i32
        %dma_wait3A_385 = tpu.memref_slice %arg2[%dma_wait3A_383, %dma_wait3A_384] : memref<2000000x64xf32, #tpu.memory_space<hbm>> -> memref<2000000x64xf32, #tpu.memory_space<hbm>>
        %dma_wait3A_386 = tpu.memref_slice %arg9[%dma_wait3A_375] : memref<6x!tpu.dma_semaphore, #tpu.memory_space<semaphore_mem>> -> memref<1x!tpu.dma_semaphore, #tpu.memory_space<semaphore_mem>>
        %dma_wait3A_387 = tpu.memref_squeeze %dma_wait3A_386 : memref<1x!tpu.dma_semaphore, #tpu.memory_space<semaphore_mem>> -> memref<!tpu.dma_semaphore, #tpu.memory_space<semaphore_mem>>
        tpu.wait_indirect_dma semaphore(%dma_wait3A_387 : memref<!tpu.dma_semaphore, #tpu.memory_space<semaphore_mem>>) src(%dma_wait3A_385 : memref<2000000x64xf32, #tpu.memory_space<hbm>>) dst(%dma_wait3A_379 : memref<128x64xf32, #tpu.memory_space<vmem>>)
        %mul3A_388 = arith.constant 2 : i32
        %mul3A_389 = arith.muli %add3A_264, %mul3A_388 : i32
        %add3A_390 = arith.constant 1 : i32
        %add3A_391 = arith.addi %mul3A_389, %add3A_390 : i32
        %mul3A_392 = arith.constant 128 : i32
        %mul3A_393 = arith.muli %add3A_391, %mul3A_392 : i32
        %add3A_394 = arith.addi %mul3A_2, %mul3A_393 : i32
        %dma_start3A_395 = arith.constant 1 : i32
        %dma_start3A_396 = arith.constant 1 : i32
        %dma_start3A_397 = arith.constant 0 : i32
        %dma_start3A_398 = arith.constant 0 : i32
        %dma_start3A_399 = tpu.memref_slice %arg7[%dma_start3A_395, %dma_start3A_397, %dma_start3A_398] : memref<6x128x64xf32, #tpu.memory_space<vmem>> -> memref<1x128x64xf32, #tpu.memory_space<vmem>>
        %dma_start3A_400 = tpu.memref_squeeze %dma_start3A_399 : memref<1x128x64xf32, #tpu.memory_space<vmem>> -> memref<128x64xf32, #tpu.memory_space<vmem>>
        %dma_start3A_401 = arith.constant 0 : i32
        %dma_start3A_402 = tpu.memref_slice %arg5[%add3A_394, %dma_start3A_401] : memref<819200x128xf32, #tpu.memory_space<hbm>> -> memref<128x64xf32, #tpu.memory_space<hbm>>
        %dma_start3A_403 = tpu.memref_slice %arg10[%dma_start3A_396] : memref<6x!tpu.dma_semaphore, #tpu.memory_space<semaphore_mem>> -> memref<1x!tpu.dma_semaphore, #tpu.memory_space<semaphore_mem>>
        %dma_start3A_404 = tpu.memref_squeeze %dma_start3A_403 : memref<1x!tpu.dma_semaphore, #tpu.memory_space<semaphore_mem>> -> memref<!tpu.dma_semaphore, #tpu.memory_space<semaphore_mem>>
        %dma_start3A_405 = arith.constant 0 : i32
        %dma_start3A_406 = tpu.memref_slice %arg5[%add3A_394, %dma_start3A_405] : memref<819200x128xf32, #tpu.memory_space<hbm>> -> memref<128x64xf32, #tpu.memory_space<hbm>>
        %dma_start3A_407 = arith.constant 0 : i32
        %dma_start3A_408 = arith.constant 0 : i32
        %dma_start3A_409 = tpu.memref_slice %arg7[%dma_start3A_395, %dma_start3A_407, %dma_start3A_408] : memref<6x128x64xf32, #tpu.memory_space<vmem>> -> memref<1x128x64xf32, #tpu.memory_space<vmem>>
        %dma_start3A_410 = tpu.memref_squeeze %dma_start3A_409 : memref<1x128x64xf32, #tpu.memory_space<vmem>> -> memref<128x64xf32, #tpu.memory_space<vmem>>
        tpu.enqueue_dma source(%dma_start3A_410 : memref<128x64xf32, #tpu.memory_space<vmem>>) target(%dma_start3A_406 : memref<128x64xf32, #tpu.memory_space<hbm>>) target_semaphore(%dma_start3A_404 : memref<!tpu.dma_semaphore, #tpu.memory_space<semaphore_mem>>)
      } else {
      }
      %mul3A_283 = arith.constant 3 : i32
      %mul3A_284 = arith.muli %add3A_260, %mul3A_283 : i32
      %add3A_285 = arith.constant 1 : i32
      %add3A_286 = arith.addi %mul3A_284, %add3A_285 : i32
      %add3A_287 = arith.constant 2 : i32
      %add3A_288 = arith.addi %add3A_286, %add3A_287 : i32
      %lt3A_289 = arith.constant 100 : i32
      %lt3A_290 = arith.cmpi slt, %add3A_288, %lt3A_289 : i32
      %convert_element_type3A_291 = arith.extui %lt3A_290 : i1 to i32
      %cond3A_292 = arith.constant 0 : i32
      %cond3A_293 = arith.cmpi ne, %convert_element_type3A_291, %cond3A_292 : i32
      scf.if %cond3A_293 {
        %ge3A = arith.constant 1 : i32
        %ge3A_329 = arith.cmpi sge, %add3A_286, %ge3A : i32
        %convert_element_type3A_330 = arith.extui %ge3A_329 : i1 to i32
        %cond3A_331 = arith.constant 0 : i32
        %cond3A_332 = arith.cmpi ne, %convert_element_type3A_330, %cond3A_331 : i32
        scf.if %cond3A_332 {
          %dma_wait3A_390 = arith.constant 0 : i32
          %dma_wait3A_391 = arith.constant 0 : i32
          %dma_wait3A_392 = arith.constant 0 : i32
          %dma_wait3A_393 = arith.constant 0 : i32
          %dma_wait3A_394 = tpu.memref_slice %arg7[%dma_wait3A_390, %dma_wait3A_392, %dma_wait3A_393] : memref<6x128x64xf32, #tpu.memory_space<vmem>> -> memref<1x128x64xf32, #tpu.memory_space<vmem>>
          %dma_wait3A_395 = tpu.memref_squeeze %dma_wait3A_394 : memref<1x128x64xf32, #tpu.memory_space<vmem>> -> memref<128x64xf32, #tpu.memory_space<vmem>>
          %dma_wait3A_396 = arith.constant 0 : i32
          %dma_wait3A_397 = arith.constant 0 : i32
          %dma_wait3A_398 = tpu.memref_slice %arg4[%dma_wait3A_396, %dma_wait3A_397] : memref<328x64xf32, #tpu.memory_space<hbm>> -> memref<128x64xf32, #tpu.memory_space<hbm>>
          %dma_wait3A_399 = tpu.memref_slice %arg10[%dma_wait3A_391] : memref<6x!tpu.dma_semaphore, #tpu.memory_space<semaphore_mem>> -> memref<1x!tpu.dma_semaphore, #tpu.memory_space<semaphore_mem>>
          %dma_wait3A_400 = tpu.memref_squeeze %dma_wait3A_399 : memref<1x!tpu.dma_semaphore, #tpu.memory_space<semaphore_mem>> -> memref<!tpu.dma_semaphore, #tpu.memory_space<semaphore_mem>>
          %dma_wait3A_401 = arith.constant 0 : i32
          %dma_wait3A_402 = arith.constant 0 : i32
          %dma_wait3A_403 = tpu.memref_slice %arg7[%dma_wait3A_390, %dma_wait3A_401, %dma_wait3A_402] : memref<6x128x64xf32, #tpu.memory_space<vmem>> -> memref<1x128x64xf32, #tpu.memory_space<vmem>>
          %dma_wait3A_404 = tpu.memref_squeeze %dma_wait3A_403 : memref<1x128x64xf32, #tpu.memory_space<vmem>> -> memref<128x64xf32, #tpu.memory_space<vmem>>
          %dma_wait3A_405 = arith.constant 0 : i32
          %dma_wait3A_406 = arith.constant 0 : i32
          %dma_wait3A_407 = tpu.memref_slice %arg4[%dma_wait3A_405, %dma_wait3A_406] : memref<328x64xf32, #tpu.memory_space<hbm>> -> memref<128x64xf32, #tpu.memory_space<hbm>>
          tpu.wait_dma2 semaphore(%dma_wait3A_400 : memref<!tpu.dma_semaphore, #tpu.memory_space<semaphore_mem>>) src(%dma_wait3A_407 : memref<128x64xf32, #tpu.memory_space<hbm>>) dst(%dma_wait3A_404 : memref<128x64xf32, #tpu.memory_space<vmem>>)
        } else {
        }
        %add3A_333 = arith.constant 2 : i32
        %add3A_334 = arith.addi %add3A_286, %add3A_333 : i32
        %mul3A_335 = arith.constant 2 : i32
        %mul3A_336 = arith.muli %add3A_334, %mul3A_335 : i32
        %add3A_337 = arith.constant 0 : i32
        %add3A_338 = arith.addi %mul3A_336, %add3A_337 : i32
        %mul3A_339 = arith.constant 128 : i32
        %mul3A_340 = arith.muli %add3A_338, %mul3A_339 : i32
        %rem3A_341 = arith.constant 200 : i32
        %rem3A_342 = arith.remsi %mul3A_340, %rem3A_341 : i32
        %dma_start3A_343 = arith.constant 0 : i32
        %dma_start3A_344 = arith.constant 0 : i32
        %dma_start3A_345 = arith.constant 0 : i32
        %dma_start3A_346 = arith.constant 0 : i32
        %dma_start3A_347 = tpu.memref_slice %arg7[%dma_start3A_343, %dma_start3A_345, %dma_start3A_346] : memref<6x128x64xf32, #tpu.memory_space<vmem>> -> memref<1x128x64xf32, #tpu.memory_space<vmem>>
        %dma_start3A_348 = tpu.memref_squeeze %dma_start3A_347 : memref<1x128x64xf32, #tpu.memory_space<vmem>> -> memref<128x64xf32, #tpu.memory_space<vmem>>
        %dma_start3A_349 = arith.constant 0 : i32
        %dma_start3A_350 = tpu.memref_slice %arg11[%rem3A_342, %dma_start3A_349] : memref<328x64xf32, #tpu.memory_space<vmem_shared>> -> memref<128x64xf32, #tpu.memory_space<vmem_shared>>
        %dma_start3A_351 = tpu.memref_slice %arg8[%dma_start3A_344] : memref<6x!tpu.dma_semaphore, #tpu.memory_space<semaphore_mem>> -> memref<1x!tpu.dma_semaphore, #tpu.memory_space<semaphore_mem>>
        %dma_start3A_352 = tpu.memref_squeeze %dma_start3A_351 : memref<1x!tpu.dma_semaphore, #tpu.memory_space<semaphore_mem>> -> memref<!tpu.dma_semaphore, #tpu.memory_space<semaphore_mem>>
        %dma_start3A_353 = arith.constant 0 : i32
        %dma_start3A_354 = arith.constant 0 : i32
        %dma_start3A_355 = tpu.memref_slice %arg7[%dma_start3A_343, %dma_start3A_353, %dma_start3A_354] : memref<6x128x64xf32, #tpu.memory_space<vmem>> -> memref<1x128x64xf32, #tpu.memory_space<vmem>>
        %dma_start3A_356 = tpu.memref_squeeze %dma_start3A_355 : memref<1x128x64xf32, #tpu.memory_space<vmem>> -> memref<128x64xf32, #tpu.memory_space<vmem>>
        %dma_start3A_357 = arith.constant 0 : i32
        %dma_start3A_358 = tpu.memref_slice %arg11[%rem3A_342, %dma_start3A_357] : memref<328x64xf32, #tpu.memory_space<vmem_shared>> -> memref<128x64xf32, #tpu.memory_space<vmem_shared>>
        tpu.enqueue_dma source(%dma_start3A_358 : memref<128x64xf32, #tpu.memory_space<vmem_shared>>) target(%dma_start3A_356 : memref<128x64xf32, #tpu.memory_space<vmem>>) target_semaphore(%dma_start3A_352 : memref<!tpu.dma_semaphore, #tpu.memory_space<semaphore_mem>>)
        %ge3A_359 = arith.constant 1 : i32
        %ge3A_360 = arith.cmpi sge, %add3A_286, %ge3A_359 : i32
        %convert_element_type3A_361 = arith.extui %ge3A_360 : i1 to i32
        %cond3A_362 = arith.constant 0 : i32
        %cond3A_363 = arith.cmpi ne, %convert_element_type3A_361, %cond3A_362 : i32
        scf.if %cond3A_363 {
          %dma_wait3A_390 = arith.constant 1 : i32
          %dma_wait3A_391 = arith.constant 1 : i32
          %dma_wait3A_392 = arith.constant 0 : i32
          %dma_wait3A_393 = arith.constant 0 : i32
          %dma_wait3A_394 = tpu.memref_slice %arg7[%dma_wait3A_390, %dma_wait3A_392, %dma_wait3A_393] : memref<6x128x64xf32, #tpu.memory_space<vmem>> -> memref<1x128x64xf32, #tpu.memory_space<vmem>>
          %dma_wait3A_395 = tpu.memref_squeeze %dma_wait3A_394 : memref<1x128x64xf32, #tpu.memory_space<vmem>> -> memref<128x64xf32, #tpu.memory_space<vmem>>
          %dma_wait3A_396 = arith.constant 0 : i32
          %dma_wait3A_397 = arith.constant 0 : i32
          %dma_wait3A_398 = tpu.memref_slice %arg4[%dma_wait3A_396, %dma_wait3A_397] : memref<328x64xf32, #tpu.memory_space<hbm>> -> memref<128x64xf32, #tpu.memory_space<hbm>>
          %dma_wait3A_399 = tpu.memref_slice %arg10[%dma_wait3A_391] : memref<6x!tpu.dma_semaphore, #tpu.memory_space<semaphore_mem>> -> memref<1x!tpu.dma_semaphore, #tpu.memory_space<semaphore_mem>>
          %dma_wait3A_400 = tpu.memref_squeeze %dma_wait3A_399 : memref<1x!tpu.dma_semaphore, #tpu.memory_space<semaphore_mem>> -> memref<!tpu.dma_semaphore, #tpu.memory_space<semaphore_mem>>
          %dma_wait3A_401 = arith.constant 0 : i32
          %dma_wait3A_402 = arith.constant 0 : i32
          %dma_wait3A_403 = tpu.memref_slice %arg7[%dma_wait3A_390, %dma_wait3A_401, %dma_wait3A_402] : memref<6x128x64xf32, #tpu.memory_space<vmem>> -> memref<1x128x64xf32, #tpu.memory_space<vmem>>
          %dma_wait3A_404 = tpu.memref_squeeze %dma_wait3A_403 : memref<1x128x64xf32, #tpu.memory_space<vmem>> -> memref<128x64xf32, #tpu.memory_space<vmem>>
          %dma_wait3A_405 = arith.constant 0 : i32
          %dma_wait3A_406 = arith.constant 0 : i32
          %dma_wait3A_407 = tpu.memref_slice %arg4[%dma_wait3A_405, %dma_wait3A_406] : memref<328x64xf32, #tpu.memory_space<hbm>> -> memref<128x64xf32, #tpu.memory_space<hbm>>
          tpu.wait_dma2 semaphore(%dma_wait3A_400 : memref<!tpu.dma_semaphore, #tpu.memory_space<semaphore_mem>>) src(%dma_wait3A_407 : memref<128x64xf32, #tpu.memory_space<hbm>>) dst(%dma_wait3A_404 : memref<128x64xf32, #tpu.memory_space<vmem>>)
        } else {
        }
        %add3A_364 = arith.constant 2 : i32
        %add3A_365 = arith.addi %add3A_286, %add3A_364 : i32
        %mul3A_366 = arith.constant 2 : i32
        %mul3A_367 = arith.muli %add3A_365, %mul3A_366 : i32
        %add3A_368 = arith.constant 1 : i32
        %add3A_369 = arith.addi %mul3A_367, %add3A_368 : i32
        %mul3A_370 = arith.constant 128 : i32
        %mul3A_371 = arith.muli %add3A_369, %mul3A_370 : i32
        %rem3A_372 = arith.constant 200 : i32
        %rem3A_373 = arith.remsi %mul3A_371, %rem3A_372 : i32
        %dma_start3A_374 = arith.constant 1 : i32
        %dma_start3A_375 = arith.constant 1 : i32
        %dma_start3A_376 = arith.constant 0 : i32
        %dma_start3A_377 = arith.constant 0 : i32
        %dma_start3A_378 = tpu.memref_slice %arg7[%dma_start3A_374, %dma_start3A_376, %dma_start3A_377] : memref<6x128x64xf32, #tpu.memory_space<vmem>> -> memref<1x128x64xf32, #tpu.memory_space<vmem>>
        %dma_start3A_379 = tpu.memref_squeeze %dma_start3A_378 : memref<1x128x64xf32, #tpu.memory_space<vmem>> -> memref<128x64xf32, #tpu.memory_space<vmem>>
        %dma_start3A_380 = arith.constant 0 : i32
        %dma_start3A_381 = tpu.memref_slice %arg11[%rem3A_373, %dma_start3A_380] : memref<328x64xf32, #tpu.memory_space<vmem_shared>> -> memref<128x64xf32, #tpu.memory_space<vmem_shared>>
        %dma_start3A_382 = tpu.memref_slice %arg8[%dma_start3A_375] : memref<6x!tpu.dma_semaphore, #tpu.memory_space<semaphore_mem>> -> memref<1x!tpu.dma_semaphore, #tpu.memory_space<semaphore_mem>>
        %dma_start3A_383 = tpu.memref_squeeze %dma_start3A_382 : memref<1x!tpu.dma_semaphore, #tpu.memory_space<semaphore_mem>> -> memref<!tpu.dma_semaphore, #tpu.memory_space<semaphore_mem>>
        %dma_start3A_384 = arith.constant 0 : i32
        %dma_start3A_385 = arith.constant 0 : i32
        %dma_start3A_386 = tpu.memref_slice %arg7[%dma_start3A_374, %dma_start3A_384, %dma_start3A_385] : memref<6x128x64xf32, #tpu.memory_space<vmem>> -> memref<1x128x64xf32, #tpu.memory_space<vmem>>
        %dma_start3A_387 = tpu.memref_squeeze %dma_start3A_386 : memref<1x128x64xf32, #tpu.memory_space<vmem>> -> memref<128x64xf32, #tpu.memory_space<vmem>>
        %dma_start3A_388 = arith.constant 0 : i32
        %dma_start3A_389 = tpu.memref_slice %arg11[%rem3A_373, %dma_start3A_388] : memref<328x64xf32, #tpu.memory_space<vmem_shared>> -> memref<128x64xf32, #tpu.memory_space<vmem_shared>>
        tpu.enqueue_dma source(%dma_start3A_389 : memref<128x64xf32, #tpu.memory_space<vmem_shared>>) target(%dma_start3A_387 : memref<128x64xf32, #tpu.memory_space<vmem>>) target_semaphore(%dma_start3A_383 : memref<!tpu.dma_semaphore, #tpu.memory_space<semaphore_mem>>)
      } else {
      }
      %add3A_294 = arith.constant 1 : i32
      %add3A_295 = arith.addi %add3A_286, %add3A_294 : i32
      %lt3A_296 = arith.constant 100 : i32
      %lt3A_297 = arith.cmpi slt, %add3A_295, %lt3A_296 : i32
      %convert_element_type3A_298 = arith.extui %lt3A_297 : i1 to i32
      %cond3A_299 = arith.constant 0 : i32
      %cond3A_300 = arith.cmpi ne, %convert_element_type3A_298, %cond3A_299 : i32
      scf.if %cond3A_300 {
        %dma_wait3A_329 = arith.constant 4 : i32
        %dma_wait3A_330 = arith.constant 4 : i32
        %dma_wait3A_331 = arith.constant 0 : i32
        %dma_wait3A_332 = arith.constant 0 : i32
        %dma_wait3A_333 = tpu.memref_slice %arg7[%dma_wait3A_329, %dma_wait3A_331, %dma_wait3A_332] : memref<6x128x64xf32, #tpu.memory_space<vmem>> -> memref<1x128x64xf32, #tpu.memory_space<vmem>>
        %dma_wait3A_334 = tpu.memref_squeeze %dma_wait3A_333 : memref<1x128x64xf32, #tpu.memory_space<vmem>> -> memref<128x64xf32, #tpu.memory_space<vmem>>
        %dma_wait3A_335 = arith.constant 0 : i32
        %dma_wait3A_336 = arith.constant 0 : i32
        %dma_wait3A_337 = tpu.memref_slice %arg11[%dma_wait3A_335, %dma_wait3A_336] : memref<328x64xf32, #tpu.memory_space<vmem_shared>> -> memref<128x64xf32, #tpu.memory_space<vmem_shared>>
        %dma_wait3A_338 = tpu.memref_slice %arg8[%dma_wait3A_330] : memref<6x!tpu.dma_semaphore, #tpu.memory_space<semaphore_mem>> -> memref<1x!tpu.dma_semaphore, #tpu.memory_space<semaphore_mem>>
        %dma_wait3A_339 = tpu.memref_squeeze %dma_wait3A_338 : memref<1x!tpu.dma_semaphore, #tpu.memory_space<semaphore_mem>> -> memref<!tpu.dma_semaphore, #tpu.memory_space<semaphore_mem>>
        %dma_wait3A_340 = arith.constant 0 : i32
        %dma_wait3A_341 = arith.constant 0 : i32
        %dma_wait3A_342 = tpu.memref_slice %arg7[%dma_wait3A_329, %dma_wait3A_340, %dma_wait3A_341] : memref<6x128x64xf32, #tpu.memory_space<vmem>> -> memref<1x128x64xf32, #tpu.memory_space<vmem>>
        %dma_wait3A_343 = tpu.memref_squeeze %dma_wait3A_342 : memref<1x128x64xf32, #tpu.memory_space<vmem>> -> memref<128x64xf32, #tpu.memory_space<vmem>>
        %dma_wait3A_344 = arith.constant 0 : i32
        %dma_wait3A_345 = arith.constant 0 : i32
        %dma_wait3A_346 = tpu.memref_slice %arg11[%dma_wait3A_344, %dma_wait3A_345] : memref<328x64xf32, #tpu.memory_space<vmem_shared>> -> memref<128x64xf32, #tpu.memory_space<vmem_shared>>
        tpu.wait_dma2 semaphore(%dma_wait3A_339 : memref<!tpu.dma_semaphore, #tpu.memory_space<semaphore_mem>>) src(%dma_wait3A_346 : memref<128x64xf32, #tpu.memory_space<vmem_shared>>) dst(%dma_wait3A_343 : memref<128x64xf32, #tpu.memory_space<vmem>>)
        %add3A_347 = arith.constant 1 : i32
        %add3A_348 = arith.addi %add3A_286, %add3A_347 : i32
        %mul3A_349 = arith.constant 2 : i32
        %mul3A_350 = arith.muli %add3A_348, %mul3A_349 : i32
        %add3A_351 = arith.constant 0 : i32
        %add3A_352 = arith.addi %mul3A_350, %add3A_351 : i32
        %dma_start3A_353 = arith.constant 4 : i32
        %dma_start3A_354 = arith.constant 4 : i32
        %dma_start3A_355 = arith.constant 0 : i32
        %dma_start3A_356 = arith.constant 0 : i32
        %dma_start3A_357 = tpu.memref_slice %arg7[%dma_start3A_353, %dma_start3A_355, %dma_start3A_356] : memref<6x128x64xf32, #tpu.memory_space<vmem>> -> memref<1x128x64xf32, #tpu.memory_space<vmem>>
        %dma_start3A_358 = tpu.memref_squeeze %dma_start3A_357 : memref<1x128x64xf32, #tpu.memory_space<vmem>> -> memref<128x64xf32, #tpu.memory_space<vmem>>
        %dma_start3A_359 = arith.constant 0 : i32
        %dma_start3A_360 = tpu.memref_slice %arg6[%add3A_352, %dma_start3A_359] : memref<200x128xi32, #tpu.memory_space<vmem>> -> memref<1x128xi32, #tpu.memory_space<vmem>>
        %dma_start3A_361 = tpu.memref_squeeze %dma_start3A_360 : memref<1x128xi32, #tpu.memory_space<vmem>> -> memref<128xi32, #tpu.memory_space<vmem>>
        %dma_start3A_362 = arith.constant 0 : i32
        %dma_start3A_363 = arith.constant 0 : i32
        %dma_start3A_364 = tpu.memref_slice %arg2[%dma_start3A_362, %dma_start3A_363] : memref<2000000x64xf32, #tpu.memory_space<hbm>> -> memref<2000000x64xf32, #tpu.memory_space<hbm>>
        %dma_start3A_365 = tpu.memref_slice %arg9[%dma_start3A_354] : memref<6x!tpu.dma_semaphore, #tpu.memory_space<semaphore_mem>> -> memref<1x!tpu.dma_semaphore, #tpu.memory_space<semaphore_mem>>
        %dma_start3A_366 = tpu.memref_squeeze %dma_start3A_365 : memref<1x!tpu.dma_semaphore, #tpu.memory_space<semaphore_mem>> -> memref<!tpu.dma_semaphore, #tpu.memory_space<semaphore_mem>>
        tpu.enqueue_indirect_dma source(%dma_start3A_364 : memref<2000000x64xf32, #tpu.memory_space<hbm>>) target(%dma_start3A_358 : memref<128x64xf32, #tpu.memory_space<vmem>>) offsets(%dma_start3A_361 : memref<128xi32, #tpu.memory_space<vmem>>) semaphore(%dma_start3A_366 : memref<!tpu.dma_semaphore, #tpu.memory_space<semaphore_mem>>) {add = true}
        %dma_wait3A_367 = arith.constant 5 : i32
        %dma_wait3A_368 = arith.constant 5 : i32
        %dma_wait3A_369 = arith.constant 0 : i32
        %dma_wait3A_370 = arith.constant 0 : i32
        %dma_wait3A_371 = tpu.memref_slice %arg7[%dma_wait3A_367, %dma_wait3A_369, %dma_wait3A_370] : memref<6x128x64xf32, #tpu.memory_space<vmem>> -> memref<1x128x64xf32, #tpu.memory_space<vmem>>
        %dma_wait3A_372 = tpu.memref_squeeze %dma_wait3A_371 : memref<1x128x64xf32, #tpu.memory_space<vmem>> -> memref<128x64xf32, #tpu.memory_space<vmem>>
        %dma_wait3A_373 = arith.constant 0 : i32
        %dma_wait3A_374 = arith.constant 0 : i32
        %dma_wait3A_375 = tpu.memref_slice %arg11[%dma_wait3A_373, %dma_wait3A_374] : memref<328x64xf32, #tpu.memory_space<vmem_shared>> -> memref<128x64xf32, #tpu.memory_space<vmem_shared>>
        %dma_wait3A_376 = tpu.memref_slice %arg8[%dma_wait3A_368] : memref<6x!tpu.dma_semaphore, #tpu.memory_space<semaphore_mem>> -> memref<1x!tpu.dma_semaphore, #tpu.memory_space<semaphore_mem>>
        %dma_wait3A_377 = tpu.memref_squeeze %dma_wait3A_376 : memref<1x!tpu.dma_semaphore, #tpu.memory_space<semaphore_mem>> -> memref<!tpu.dma_semaphore, #tpu.memory_space<semaphore_mem>>
        %dma_wait3A_378 = arith.constant 0 : i32
        %dma_wait3A_379 = arith.constant 0 : i32
        %dma_wait3A_380 = tpu.memref_slice %arg7[%dma_wait3A_367, %dma_wait3A_378, %dma_wait3A_379] : memref<6x128x64xf32, #tpu.memory_space<vmem>> -> memref<1x128x64xf32, #tpu.memory_space<vmem>>
        %dma_wait3A_381 = tpu.memref_squeeze %dma_wait3A_380 : memref<1x128x64xf32, #tpu.memory_space<vmem>> -> memref<128x64xf32, #tpu.memory_space<vmem>>
        %dma_wait3A_382 = arith.constant 0 : i32
        %dma_wait3A_383 = arith.constant 0 : i32
        %dma_wait3A_384 = tpu.memref_slice %arg11[%dma_wait3A_382, %dma_wait3A_383] : memref<328x64xf32, #tpu.memory_space<vmem_shared>> -> memref<128x64xf32, #tpu.memory_space<vmem_shared>>
        tpu.wait_dma2 semaphore(%dma_wait3A_377 : memref<!tpu.dma_semaphore, #tpu.memory_space<semaphore_mem>>) src(%dma_wait3A_384 : memref<128x64xf32, #tpu.memory_space<vmem_shared>>) dst(%dma_wait3A_381 : memref<128x64xf32, #tpu.memory_space<vmem>>)
        %add3A_385 = arith.constant 1 : i32
        %add3A_386 = arith.addi %add3A_286, %add3A_385 : i32
        %mul3A_387 = arith.constant 2 : i32
        %mul3A_388 = arith.muli %add3A_386, %mul3A_387 : i32
        %add3A_389 = arith.constant 1 : i32
        %add3A_390 = arith.addi %mul3A_388, %add3A_389 : i32
        %dma_start3A_391 = arith.constant 5 : i32
        %dma_start3A_392 = arith.constant 5 : i32
        %dma_start3A_393 = arith.constant 0 : i32
        %dma_start3A_394 = arith.constant 0 : i32
        %dma_start3A_395 = tpu.memref_slice %arg7[%dma_start3A_391, %dma_start3A_393, %dma_start3A_394] : memref<6x128x64xf32, #tpu.memory_space<vmem>> -> memref<1x128x64xf32, #tpu.memory_space<vmem>>
        %dma_start3A_396 = tpu.memref_squeeze %dma_start3A_395 : memref<1x128x64xf32, #tpu.memory_space<vmem>> -> memref<128x64xf32, #tpu.memory_space<vmem>>
        %dma_start3A_397 = arith.constant 0 : i32
        %dma_start3A_398 = tpu.memref_slice %arg6[%add3A_390, %dma_start3A_397] : memref<200x128xi32, #tpu.memory_space<vmem>> -> memref<1x128xi32, #tpu.memory_space<vmem>>
        %dma_start3A_399 = tpu.memref_squeeze %dma_start3A_398 : memref<1x128xi32, #tpu.memory_space<vmem>> -> memref<128xi32, #tpu.memory_space<vmem>>
        %dma_start3A_400 = arith.constant 0 : i32
        %dma_start3A_401 = arith.constant 0 : i32
        %dma_start3A_402 = tpu.memref_slice %arg2[%dma_start3A_400, %dma_start3A_401] : memref<2000000x64xf32, #tpu.memory_space<hbm>> -> memref<2000000x64xf32, #tpu.memory_space<hbm>>
        %dma_start3A_403 = tpu.memref_slice %arg9[%dma_start3A_392] : memref<6x!tpu.dma_semaphore, #tpu.memory_space<semaphore_mem>> -> memref<1x!tpu.dma_semaphore, #tpu.memory_space<semaphore_mem>>
        %dma_start3A_404 = tpu.memref_squeeze %dma_start3A_403 : memref<1x!tpu.dma_semaphore, #tpu.memory_space<semaphore_mem>> -> memref<!tpu.dma_semaphore, #tpu.memory_space<semaphore_mem>>
        tpu.enqueue_indirect_dma source(%dma_start3A_402 : memref<2000000x64xf32, #tpu.memory_space<hbm>>) target(%dma_start3A_396 : memref<128x64xf32, #tpu.memory_space<vmem>>) offsets(%dma_start3A_399 : memref<128xi32, #tpu.memory_space<vmem>>) semaphore(%dma_start3A_404 : memref<!tpu.dma_semaphore, #tpu.memory_space<semaphore_mem>>) {add = true}
      } else {
      }
      %lt3A_301 = arith.constant 100 : i32
      %lt3A_302 = arith.cmpi slt, %add3A_286, %lt3A_301 : i32
      %convert_element_type3A_303 = arith.extui %lt3A_302 : i1 to i32
      %cond3A_304 = arith.constant 0 : i32
      %cond3A_305 = arith.cmpi ne, %convert_element_type3A_303, %cond3A_304 : i32
      scf.if %cond3A_305 {
        %mul3A_329 = arith.constant 2 : i32
        %mul3A_330 = arith.muli %add3A_286, %mul3A_329 : i32
        %add3A_331 = arith.constant 0 : i32
        %add3A_332 = arith.addi %mul3A_330, %add3A_331 : i32
        %dma_wait3A_333 = arith.constant 2 : i32
        %dma_wait3A_334 = arith.constant 2 : i32
        %dma_wait3A_335 = arith.constant 0 : i32
        %dma_wait3A_336 = arith.constant 0 : i32
        %dma_wait3A_337 = tpu.memref_slice %arg7[%dma_wait3A_333, %dma_wait3A_335, %dma_wait3A_336] : memref<6x128x64xf32, #tpu.memory_space<vmem>> -> memref<1x128x64xf32, #tpu.memory_space<vmem>>
        %dma_wait3A_338 = tpu.memref_squeeze %dma_wait3A_337 : memref<1x128x64xf32, #tpu.memory_space<vmem>> -> memref<128x64xf32, #tpu.memory_space<vmem>>
        %dma_wait3A_339 = arith.constant 0 : i32
        %dma_wait3A_340 = tpu.memref_slice %arg6[%add3A_332, %dma_wait3A_339] : memref<200x128xi32, #tpu.memory_space<vmem>> -> memref<1x128xi32, #tpu.memory_space<vmem>>
        %dma_wait3A_341 = tpu.memref_squeeze %dma_wait3A_340 : memref<1x128xi32, #tpu.memory_space<vmem>> -> memref<128xi32, #tpu.memory_space<vmem>>
        %dma_wait3A_342 = arith.constant 0 : i32
        %dma_wait3A_343 = arith.constant 0 : i32
        %dma_wait3A_344 = tpu.memref_slice %arg2[%dma_wait3A_342, %dma_wait3A_343] : memref<2000000x64xf32, #tpu.memory_space<hbm>> -> memref<2000000x64xf32, #tpu.memory_space<hbm>>
        %dma_wait3A_345 = tpu.memref_slice %arg9[%dma_wait3A_334] : memref<6x!tpu.dma_semaphore, #tpu.memory_space<semaphore_mem>> -> memref<1x!tpu.dma_semaphore, #tpu.memory_space<semaphore_mem>>
        %dma_wait3A_346 = tpu.memref_squeeze %dma_wait3A_345 : memref<1x!tpu.dma_semaphore, #tpu.memory_space<semaphore_mem>> -> memref<!tpu.dma_semaphore, #tpu.memory_space<semaphore_mem>>
        tpu.wait_indirect_dma semaphore(%dma_wait3A_346 : memref<!tpu.dma_semaphore, #tpu.memory_space<semaphore_mem>>) src(%dma_wait3A_344 : memref<2000000x64xf32, #tpu.memory_space<hbm>>) dst(%dma_wait3A_338 : memref<128x64xf32, #tpu.memory_space<vmem>>)
        %mul3A_347 = arith.constant 2 : i32
        %mul3A_348 = arith.muli %add3A_286, %mul3A_347 : i32
        %add3A_349 = arith.constant 0 : i32
        %add3A_350 = arith.addi %mul3A_348, %add3A_349 : i32
        %mul3A_351 = arith.constant 128 : i32
        %mul3A_352 = arith.muli %add3A_350, %mul3A_351 : i32
        %add3A_353 = arith.addi %mul3A_2, %mul3A_352 : i32
        %dma_start3A_354 = arith.constant 2 : i32
        %dma_start3A_355 = arith.constant 2 : i32
        %dma_start3A_356 = arith.constant 0 : i32
        %dma_start3A_357 = arith.constant 0 : i32
        %dma_start3A_358 = tpu.memref_slice %arg7[%dma_start3A_354, %dma_start3A_356, %dma_start3A_357] : memref<6x128x64xf32, #tpu.memory_space<vmem>> -> memref<1x128x64xf32, #tpu.memory_space<vmem>>
        %dma_start3A_359 = tpu.memref_squeeze %dma_start3A_358 : memref<1x128x64xf32, #tpu.memory_space<vmem>> -> memref<128x64xf32, #tpu.memory_space<vmem>>
        %dma_start3A_360 = arith.constant 0 : i32
        %dma_start3A_361 = tpu.memref_slice %arg5[%add3A_353, %dma_start3A_360] : memref<819200x128xf32, #tpu.memory_space<hbm>> -> memref<128x64xf32, #tpu.memory_space<hbm>>
        %dma_start3A_362 = tpu.memref_slice %arg10[%dma_start3A_355] : memref<6x!tpu.dma_semaphore, #tpu.memory_space<semaphore_mem>> -> memref<1x!tpu.dma_semaphore, #tpu.memory_space<semaphore_mem>>
        %dma_start3A_363 = tpu.memref_squeeze %dma_start3A_362 : memref<1x!tpu.dma_semaphore, #tpu.memory_space<semaphore_mem>> -> memref<!tpu.dma_semaphore, #tpu.memory_space<semaphore_mem>>
        %dma_start3A_364 = arith.constant 0 : i32
        %dma_start3A_365 = tpu.memref_slice %arg5[%add3A_353, %dma_start3A_364] : memref<819200x128xf32, #tpu.memory_space<hbm>> -> memref<128x64xf32, #tpu.memory_space<hbm>>
        %dma_start3A_366 = arith.constant 0 : i32
        %dma_start3A_367 = arith.constant 0 : i32
        %dma_start3A_368 = tpu.memref_slice %arg7[%dma_start3A_354, %dma_start3A_366, %dma_start3A_367] : memref<6x128x64xf32, #tpu.memory_space<vmem>> -> memref<1x128x64xf32, #tpu.memory_space<vmem>>
        %dma_start3A_369 = tpu.memref_squeeze %dma_start3A_368 : memref<1x128x64xf32, #tpu.memory_space<vmem>> -> memref<128x64xf32, #tpu.memory_space<vmem>>
        tpu.enqueue_dma source(%dma_start3A_369 : memref<128x64xf32, #tpu.memory_space<vmem>>) target(%dma_start3A_365 : memref<128x64xf32, #tpu.memory_space<hbm>>) target_semaphore(%dma_start3A_363 : memref<!tpu.dma_semaphore, #tpu.memory_space<semaphore_mem>>)
        %mul3A_370 = arith.constant 2 : i32
        %mul3A_371 = arith.muli %add3A_286, %mul3A_370 : i32
        %add3A_372 = arith.constant 1 : i32
        %add3A_373 = arith.addi %mul3A_371, %add3A_372 : i32
        %dma_wait3A_374 = arith.constant 3 : i32
        %dma_wait3A_375 = arith.constant 3 : i32
        %dma_wait3A_376 = arith.constant 0 : i32
        %dma_wait3A_377 = arith.constant 0 : i32
        %dma_wait3A_378 = tpu.memref_slice %arg7[%dma_wait3A_374, %dma_wait3A_376, %dma_wait3A_377] : memref<6x128x64xf32, #tpu.memory_space<vmem>> -> memref<1x128x64xf32, #tpu.memory_space<vmem>>
        %dma_wait3A_379 = tpu.memref_squeeze %dma_wait3A_378 : memref<1x128x64xf32, #tpu.memory_space<vmem>> -> memref<128x64xf32, #tpu.memory_space<vmem>>
        %dma_wait3A_380 = arith.constant 0 : i32
        %dma_wait3A_381 = tpu.memref_slice %arg6[%add3A_373, %dma_wait3A_380] : memref<200x128xi32, #tpu.memory_space<vmem>> -> memref<1x128xi32, #tpu.memory_space<vmem>>
        %dma_wait3A_382 = tpu.memref_squeeze %dma_wait3A_381 : memref<1x128xi32, #tpu.memory_space<vmem>> -> memref<128xi32, #tpu.memory_space<vmem>>
        %dma_wait3A_383 = arith.constant 0 : i32
        %dma_wait3A_384 = arith.constant 0 : i32
        %dma_wait3A_385 = tpu.memref_slice %arg2[%dma_wait3A_383, %dma_wait3A_384] : memref<2000000x64xf32, #tpu.memory_space<hbm>> -> memref<2000000x64xf32, #tpu.memory_space<hbm>>
        %dma_wait3A_386 = tpu.memref_slice %arg9[%dma_wait3A_375] : memref<6x!tpu.dma_semaphore, #tpu.memory_space<semaphore_mem>> -> memref<1x!tpu.dma_semaphore, #tpu.memory_space<semaphore_mem>>
        %dma_wait3A_387 = tpu.memref_squeeze %dma_wait3A_386 : memref<1x!tpu.dma_semaphore, #tpu.memory_space<semaphore_mem>> -> memref<!tpu.dma_semaphore, #tpu.memory_space<semaphore_mem>>
        tpu.wait_indirect_dma semaphore(%dma_wait3A_387 : memref<!tpu.dma_semaphore, #tpu.memory_space<semaphore_mem>>) src(%dma_wait3A_385 : memref<2000000x64xf32, #tpu.memory_space<hbm>>) dst(%dma_wait3A_379 : memref<128x64xf32, #tpu.memory_space<vmem>>)
        %mul3A_388 = arith.constant 2 : i32
        %mul3A_389 = arith.muli %add3A_286, %mul3A_388 : i32
        %add3A_390 = arith.constant 1 : i32
        %add3A_391 = arith.addi %mul3A_389, %add3A_390 : i32
        %mul3A_392 = arith.constant 128 : i32
        %mul3A_393 = arith.muli %add3A_391, %mul3A_392 : i32
        %add3A_394 = arith.addi %mul3A_2, %mul3A_393 : i32
        %dma_start3A_395 = arith.constant 3 : i32
        %dma_start3A_396 = arith.constant 3 : i32
        %dma_start3A_397 = arith.constant 0 : i32
        %dma_start3A_398 = arith.constant 0 : i32
        %dma_start3A_399 = tpu.memref_slice %arg7[%dma_start3A_395, %dma_start3A_397, %dma_start3A_398] : memref<6x128x64xf32, #tpu.memory_space<vmem>> -> memref<1x128x64xf32, #tpu.memory_space<vmem>>
        %dma_start3A_400 = tpu.memref_squeeze %dma_start3A_399 : memref<1x128x64xf32, #tpu.memory_space<vmem>> -> memref<128x64xf32, #tpu.memory_space<vmem>>
        %dma_start3A_401 = arith.constant 0 : i32
        %dma_start3A_402 = tpu.memref_slice %arg5[%add3A_394, %dma_start3A_401] : memref<819200x128xf32, #tpu.memory_space<hbm>> -> memref<128x64xf32, #tpu.memory_space<hbm>>
        %dma_start3A_403 = tpu.memref_slice %arg10[%dma_start3A_396] : memref<6x!tpu.dma_semaphore, #tpu.memory_space<semaphore_mem>> -> memref<1x!tpu.dma_semaphore, #tpu.memory_space<semaphore_mem>>
        %dma_start3A_404 = tpu.memref_squeeze %dma_start3A_403 : memref<1x!tpu.dma_semaphore, #tpu.memory_space<semaphore_mem>> -> memref<!tpu.dma_semaphore, #tpu.memory_space<semaphore_mem>>
        %dma_start3A_405 = arith.constant 0 : i32
        %dma_start3A_406 = tpu.memref_slice %arg5[%add3A_394, %dma_start3A_405] : memref<819200x128xf32, #tpu.memory_space<hbm>> -> memref<128x64xf32, #tpu.memory_space<hbm>>
        %dma_start3A_407 = arith.constant 0 : i32
        %dma_start3A_408 = arith.constant 0 : i32
        %dma_start3A_409 = tpu.memref_slice %arg7[%dma_start3A_395, %dma_start3A_407, %dma_start3A_408] : memref<6x128x64xf32, #tpu.memory_space<vmem>> -> memref<1x128x64xf32, #tpu.memory_space<vmem>>
        %dma_start3A_410 = tpu.memref_squeeze %dma_start3A_409 : memref<1x128x64xf32, #tpu.memory_space<vmem>> -> memref<128x64xf32, #tpu.memory_space<vmem>>
        tpu.enqueue_dma source(%dma_start3A_410 : memref<128x64xf32, #tpu.memory_space<vmem>>) target(%dma_start3A_406 : memref<128x64xf32, #tpu.memory_space<hbm>>) target_semaphore(%dma_start3A_404 : memref<!tpu.dma_semaphore, #tpu.memory_space<semaphore_mem>>)
      } else {
      }
      %mul3A_306 = arith.constant 3 : i32
      %mul3A_307 = arith.muli %add3A_260, %mul3A_306 : i32
      %add3A_308 = arith.constant 2 : i32
      %add3A_309 = arith.addi %mul3A_307, %add3A_308 : i32
      %add3A_310 = arith.constant 2 : i32
      %add3A_311 = arith.addi %add3A_309, %add3A_310 : i32
      %lt3A_312 = arith.constant 100 : i32
      %lt3A_313 = arith.cmpi slt, %add3A_311, %lt3A_312 : i32
      %convert_element_type3A_314 = arith.extui %lt3A_313 : i1 to i32
      %cond3A_315 = arith.constant 0 : i32
      %cond3A_316 = arith.cmpi ne, %convert_element_type3A_314, %cond3A_315 : i32
      scf.if %cond3A_316 {
        %ge3A = arith.constant 1 : i32
        %ge3A_329 = arith.cmpi sge, %add3A_309, %ge3A : i32
        %convert_element_type3A_330 = arith.extui %ge3A_329 : i1 to i32
        %cond3A_331 = arith.constant 0 : i32
        %cond3A_332 = arith.cmpi ne, %convert_element_type3A_330, %cond3A_331 : i32
        scf.if %cond3A_332 {
          %dma_wait3A_390 = arith.constant 2 : i32
          %dma_wait3A_391 = arith.constant 2 : i32
          %dma_wait3A_392 = arith.constant 0 : i32
          %dma_wait3A_393 = arith.constant 0 : i32
          %dma_wait3A_394 = tpu.memref_slice %arg7[%dma_wait3A_390, %dma_wait3A_392, %dma_wait3A_393] : memref<6x128x64xf32, #tpu.memory_space<vmem>> -> memref<1x128x64xf32, #tpu.memory_space<vmem>>
          %dma_wait3A_395 = tpu.memref_squeeze %dma_wait3A_394 : memref<1x128x64xf32, #tpu.memory_space<vmem>> -> memref<128x64xf32, #tpu.memory_space<vmem>>
          %dma_wait3A_396 = arith.constant 0 : i32
          %dma_wait3A_397 = arith.constant 0 : i32
          %dma_wait3A_398 = tpu.memref_slice %arg4[%dma_wait3A_396, %dma_wait3A_397] : memref<328x64xf32, #tpu.memory_space<hbm>> -> memref<128x64xf32, #tpu.memory_space<hbm>>
          %dma_wait3A_399 = tpu.memref_slice %arg10[%dma_wait3A_391] : memref<6x!tpu.dma_semaphore, #tpu.memory_space<semaphore_mem>> -> memref<1x!tpu.dma_semaphore, #tpu.memory_space<semaphore_mem>>
          %dma_wait3A_400 = tpu.memref_squeeze %dma_wait3A_399 : memref<1x!tpu.dma_semaphore, #tpu.memory_space<semaphore_mem>> -> memref<!tpu.dma_semaphore, #tpu.memory_space<semaphore_mem>>
          %dma_wait3A_401 = arith.constant 0 : i32
          %dma_wait3A_402 = arith.constant 0 : i32
          %dma_wait3A_403 = tpu.memref_slice %arg7[%dma_wait3A_390, %dma_wait3A_401, %dma_wait3A_402] : memref<6x128x64xf32, #tpu.memory_space<vmem>> -> memref<1x128x64xf32, #tpu.memory_space<vmem>>
          %dma_wait3A_404 = tpu.memref_squeeze %dma_wait3A_403 : memref<1x128x64xf32, #tpu.memory_space<vmem>> -> memref<128x64xf32, #tpu.memory_space<vmem>>
          %dma_wait3A_405 = arith.constant 0 : i32
          %dma_wait3A_406 = arith.constant 0 : i32
          %dma_wait3A_407 = tpu.memref_slice %arg4[%dma_wait3A_405, %dma_wait3A_406] : memref<328x64xf32, #tpu.memory_space<hbm>> -> memref<128x64xf32, #tpu.memory_space<hbm>>
          tpu.wait_dma2 semaphore(%dma_wait3A_400 : memref<!tpu.dma_semaphore, #tpu.memory_space<semaphore_mem>>) src(%dma_wait3A_407 : memref<128x64xf32, #tpu.memory_space<hbm>>) dst(%dma_wait3A_404 : memref<128x64xf32, #tpu.memory_space<vmem>>)
        } else {
        }
        %add3A_333 = arith.constant 2 : i32
        %add3A_334 = arith.addi %add3A_309, %add3A_333 : i32
        %mul3A_335 = arith.constant 2 : i32
        %mul3A_336 = arith.muli %add3A_334, %mul3A_335 : i32
        %add3A_337 = arith.constant 0 : i32
        %add3A_338 = arith.addi %mul3A_336, %add3A_337 : i32
        %mul3A_339 = arith.constant 128 : i32
        %mul3A_340 = arith.muli %add3A_338, %mul3A_339 : i32
        %rem3A_341 = arith.constant 200 : i32
        %rem3A_342 = arith.remsi %mul3A_340, %rem3A_341 : i32
        %dma_start3A_343 = arith.constant 2 : i32
        %dma_start3A_344 = arith.constant 2 : i32
        %dma_start3A_345 = arith.constant 0 : i32
        %dma_start3A_346 = arith.constant 0 : i32
        %dma_start3A_347 = tpu.memref_slice %arg7[%dma_start3A_343, %dma_start3A_345, %dma_start3A_346] : memref<6x128x64xf32, #tpu.memory_space<vmem>> -> memref<1x128x64xf32, #tpu.memory_space<vmem>>
        %dma_start3A_348 = tpu.memref_squeeze %dma_start3A_347 : memref<1x128x64xf32, #tpu.memory_space<vmem>> -> memref<128x64xf32, #tpu.memory_space<vmem>>
        %dma_start3A_349 = arith.constant 0 : i32
        %dma_start3A_350 = tpu.memref_slice %arg11[%rem3A_342, %dma_start3A_349] : memref<328x64xf32, #tpu.memory_space<vmem_shared>> -> memref<128x64xf32, #tpu.memory_space<vmem_shared>>
        %dma_start3A_351 = tpu.memref_slice %arg8[%dma_start3A_344] : memref<6x!tpu.dma_semaphore, #tpu.memory_space<semaphore_mem>> -> memref<1x!tpu.dma_semaphore, #tpu.memory_space<semaphore_mem>>
        %dma_start3A_352 = tpu.memref_squeeze %dma_start3A_351 : memref<1x!tpu.dma_semaphore, #tpu.memory_space<semaphore_mem>> -> memref<!tpu.dma_semaphore, #tpu.memory_space<semaphore_mem>>
        %dma_start3A_353 = arith.constant 0 : i32
        %dma_start3A_354 = arith.constant 0 : i32
        %dma_start3A_355 = tpu.memref_slice %arg7[%dma_start3A_343, %dma_start3A_353, %dma_start3A_354] : memref<6x128x64xf32, #tpu.memory_space<vmem>> -> memref<1x128x64xf32, #tpu.memory_space<vmem>>
        %dma_start3A_356 = tpu.memref_squeeze %dma_start3A_355 : memref<1x128x64xf32, #tpu.memory_space<vmem>> -> memref<128x64xf32, #tpu.memory_space<vmem>>
        %dma_start3A_357 = arith.constant 0 : i32
        %dma_start3A_358 = tpu.memref_slice %arg11[%rem3A_342, %dma_start3A_357] : memref<328x64xf32, #tpu.memory_space<vmem_shared>> -> memref<128x64xf32, #tpu.memory_space<vmem_shared>>
        tpu.enqueue_dma source(%dma_start3A_358 : memref<128x64xf32, #tpu.memory_space<vmem_shared>>) target(%dma_start3A_356 : memref<128x64xf32, #tpu.memory_space<vmem>>) target_semaphore(%dma_start3A_352 : memref<!tpu.dma_semaphore, #tpu.memory_space<semaphore_mem>>)
        %ge3A_359 = arith.constant 1 : i32
        %ge3A_360 = arith.cmpi sge, %add3A_309, %ge3A_359 : i32
        %convert_element_type3A_361 = arith.extui %ge3A_360 : i1 to i32
        %cond3A_362 = arith.constant 0 : i32
        %cond3A_363 = arith.cmpi ne, %convert_element_type3A_361, %cond3A_362 : i32
        scf.if %cond3A_363 {
          %dma_wait3A_390 = arith.constant 3 : i32
          %dma_wait3A_391 = arith.constant 3 : i32
          %dma_wait3A_392 = arith.constant 0 : i32
          %dma_wait3A_393 = arith.constant 0 : i32
          %dma_wait3A_394 = tpu.memref_slice %arg7[%dma_wait3A_390, %dma_wait3A_392, %dma_wait3A_393] : memref<6x128x64xf32, #tpu.memory_space<vmem>> -> memref<1x128x64xf32, #tpu.memory_space<vmem>>
          %dma_wait3A_395 = tpu.memref_squeeze %dma_wait3A_394 : memref<1x128x64xf32, #tpu.memory_space<vmem>> -> memref<128x64xf32, #tpu.memory_space<vmem>>
          %dma_wait3A_396 = arith.constant 0 : i32
          %dma_wait3A_397 = arith.constant 0 : i32
          %dma_wait3A_398 = tpu.memref_slice %arg4[%dma_wait3A_396, %dma_wait3A_397] : memref<328x64xf32, #tpu.memory_space<hbm>> -> memref<128x64xf32, #tpu.memory_space<hbm>>
          %dma_wait3A_399 = tpu.memref_slice %arg10[%dma_wait3A_391] : memref<6x!tpu.dma_semaphore, #tpu.memory_space<semaphore_mem>> -> memref<1x!tpu.dma_semaphore, #tpu.memory_space<semaphore_mem>>
          %dma_wait3A_400 = tpu.memref_squeeze %dma_wait3A_399 : memref<1x!tpu.dma_semaphore, #tpu.memory_space<semaphore_mem>> -> memref<!tpu.dma_semaphore, #tpu.memory_space<semaphore_mem>>
          %dma_wait3A_401 = arith.constant 0 : i32
          %dma_wait3A_402 = arith.constant 0 : i32
          %dma_wait3A_403 = tpu.memref_slice %arg7[%dma_wait3A_390, %dma_wait3A_401, %dma_wait3A_402] : memref<6x128x64xf32, #tpu.memory_space<vmem>> -> memref<1x128x64xf32, #tpu.memory_space<vmem>>
          %dma_wait3A_404 = tpu.memref_squeeze %dma_wait3A_403 : memref<1x128x64xf32, #tpu.memory_space<vmem>> -> memref<128x64xf32, #tpu.memory_space<vmem>>
          %dma_wait3A_405 = arith.constant 0 : i32
          %dma_wait3A_406 = arith.constant 0 : i32
          %dma_wait3A_407 = tpu.memref_slice %arg4[%dma_wait3A_405, %dma_wait3A_406] : memref<328x64xf32, #tpu.memory_space<hbm>> -> memref<128x64xf32, #tpu.memory_space<hbm>>
          tpu.wait_dma2 semaphore(%dma_wait3A_400 : memref<!tpu.dma_semaphore, #tpu.memory_space<semaphore_mem>>) src(%dma_wait3A_407 : memref<128x64xf32, #tpu.memory_space<hbm>>) dst(%dma_wait3A_404 : memref<128x64xf32, #tpu.memory_space<vmem>>)
        } else {
        }
        %add3A_364 = arith.constant 2 : i32
        %add3A_365 = arith.addi %add3A_309, %add3A_364 : i32
        %mul3A_366 = arith.constant 2 : i32
        %mul3A_367 = arith.muli %add3A_365, %mul3A_366 : i32
        %add3A_368 = arith.constant 1 : i32
        %add3A_369 = arith.addi %mul3A_367, %add3A_368 : i32
        %mul3A_370 = arith.constant 128 : i32
        %mul3A_371 = arith.muli %add3A_369, %mul3A_370 : i32
        %rem3A_372 = arith.constant 200 : i32
        %rem3A_373 = arith.remsi %mul3A_371, %rem3A_372 : i32
        %dma_start3A_374 = arith.constant 3 : i32
        %dma_start3A_375 = arith.constant 3 : i32
        %dma_start3A_376 = arith.constant 0 : i32
        %dma_start3A_377 = arith.constant 0 : i32
        %dma_start3A_378 = tpu.memref_slice %arg7[%dma_start3A_374, %dma_start3A_376, %dma_start3A_377] : memref<6x128x64xf32, #tpu.memory_space<vmem>> -> memref<1x128x64xf32, #tpu.memory_space<vmem>>
        %dma_start3A_379 = tpu.memref_squeeze %dma_start3A_378 : memref<1x128x64xf32, #tpu.memory_space<vmem>> -> memref<128x64xf32, #tpu.memory_space<vmem>>
        %dma_start3A_380 = arith.constant 0 : i32
        %dma_start3A_381 = tpu.memref_slice %arg11[%rem3A_373, %dma_start3A_380] : memref<328x64xf32, #tpu.memory_space<vmem_shared>> -> memref<128x64xf32, #tpu.memory_space<vmem_shared>>
        %dma_start3A_382 = tpu.memref_slice %arg8[%dma_start3A_375] : memref<6x!tpu.dma_semaphore, #tpu.memory_space<semaphore_mem>> -> memref<1x!tpu.dma_semaphore, #tpu.memory_space<semaphore_mem>>
        %dma_start3A_383 = tpu.memref_squeeze %dma_start3A_382 : memref<1x!tpu.dma_semaphore, #tpu.memory_space<semaphore_mem>> -> memref<!tpu.dma_semaphore, #tpu.memory_space<semaphore_mem>>
        %dma_start3A_384 = arith.constant 0 : i32
        %dma_start3A_385 = arith.constant 0 : i32
        %dma_start3A_386 = tpu.memref_slice %arg7[%dma_start3A_374, %dma_start3A_384, %dma_start3A_385] : memref<6x128x64xf32, #tpu.memory_space<vmem>> -> memref<1x128x64xf32, #tpu.memory_space<vmem>>
        %dma_start3A_387 = tpu.memref_squeeze %dma_start3A_386 : memref<1x128x64xf32, #tpu.memory_space<vmem>> -> memref<128x64xf32, #tpu.memory_space<vmem>>
        %dma_start3A_388 = arith.constant 0 : i32
        %dma_start3A_389 = tpu.memref_slice %arg11[%rem3A_373, %dma_start3A_388] : memref<328x64xf32, #tpu.memory_space<vmem_shared>> -> memref<128x64xf32, #tpu.memory_space<vmem_shared>>
        tpu.enqueue_dma source(%dma_start3A_389 : memref<128x64xf32, #tpu.memory_space<vmem_shared>>) target(%dma_start3A_387 : memref<128x64xf32, #tpu.memory_space<vmem>>) target_semaphore(%dma_start3A_383 : memref<!tpu.dma_semaphore, #tpu.memory_space<semaphore_mem>>)
      } else {
      }
      %add3A_317 = arith.constant 1 : i32
      %add3A_318 = arith.addi %add3A_309, %add3A_317 : i32
      %lt3A_319 = arith.constant 100 : i32
      %lt3A_320 = arith.cmpi slt, %add3A_318, %lt3A_319 : i32
      %convert_element_type3A_321 = arith.extui %lt3A_320 : i1 to i32
      %cond3A_322 = arith.constant 0 : i32
      %cond3A_323 = arith.cmpi ne, %convert_element_type3A_321, %cond3A_322 : i32
      scf.if %cond3A_323 {
        %dma_wait3A_329 = arith.constant 0 : i32
        %dma_wait3A_330 = arith.constant 0 : i32
        %dma_wait3A_331 = arith.constant 0 : i32
        %dma_wait3A_332 = arith.constant 0 : i32
        %dma_wait3A_333 = tpu.memref_slice %arg7[%dma_wait3A_329, %dma_wait3A_331, %dma_wait3A_332] : memref<6x128x64xf32, #tpu.memory_space<vmem>> -> memref<1x128x64xf32, #tpu.memory_space<vmem>>
        %dma_wait3A_334 = tpu.memref_squeeze %dma_wait3A_333 : memref<1x128x64xf32, #tpu.memory_space<vmem>> -> memref<128x64xf32, #tpu.memory_space<vmem>>
        %dma_wait3A_335 = arith.constant 0 : i32
        %dma_wait3A_336 = arith.constant 0 : i32
        %dma_wait3A_337 = tpu.memref_slice %arg11[%dma_wait3A_335, %dma_wait3A_336] : memref<328x64xf32, #tpu.memory_space<vmem_shared>> -> memref<128x64xf32, #tpu.memory_space<vmem_shared>>
        %dma_wait3A_338 = tpu.memref_slice %arg8[%dma_wait3A_330] : memref<6x!tpu.dma_semaphore, #tpu.memory_space<semaphore_mem>> -> memref<1x!tpu.dma_semaphore, #tpu.memory_space<semaphore_mem>>
        %dma_wait3A_339 = tpu.memref_squeeze %dma_wait3A_338 : memref<1x!tpu.dma_semaphore, #tpu.memory_space<semaphore_mem>> -> memref<!tpu.dma_semaphore, #tpu.memory_space<semaphore_mem>>
        %dma_wait3A_340 = arith.constant 0 : i32
        %dma_wait3A_341 = arith.constant 0 : i32
        %dma_wait3A_342 = tpu.memref_slice %arg7[%dma_wait3A_329, %dma_wait3A_340, %dma_wait3A_341] : memref<6x128x64xf32, #tpu.memory_space<vmem>> -> memref<1x128x64xf32, #tpu.memory_space<vmem>>
        %dma_wait3A_343 = tpu.memref_squeeze %dma_wait3A_342 : memref<1x128x64xf32, #tpu.memory_space<vmem>> -> memref<128x64xf32, #tpu.memory_space<vmem>>
        %dma_wait3A_344 = arith.constant 0 : i32
        %dma_wait3A_345 = arith.constant 0 : i32
        %dma_wait3A_346 = tpu.memref_slice %arg11[%dma_wait3A_344, %dma_wait3A_345] : memref<328x64xf32, #tpu.memory_space<vmem_shared>> -> memref<128x64xf32, #tpu.memory_space<vmem_shared>>
        tpu.wait_dma2 semaphore(%dma_wait3A_339 : memref<!tpu.dma_semaphore, #tpu.memory_space<semaphore_mem>>) src(%dma_wait3A_346 : memref<128x64xf32, #tpu.memory_space<vmem_shared>>) dst(%dma_wait3A_343 : memref<128x64xf32, #tpu.memory_space<vmem>>)
        %add3A_347 = arith.constant 1 : i32
        %add3A_348 = arith.addi %add3A_309, %add3A_347 : i32
        %mul3A_349 = arith.constant 2 : i32
        %mul3A_350 = arith.muli %add3A_348, %mul3A_349 : i32
        %add3A_351 = arith.constant 0 : i32
        %add3A_352 = arith.addi %mul3A_350, %add3A_351 : i32
        %dma_start3A_353 = arith.constant 0 : i32
        %dma_start3A_354 = arith.constant 0 : i32
        %dma_start3A_355 = arith.constant 0 : i32
        %dma_start3A_356 = arith.constant 0 : i32
        %dma_start3A_357 = tpu.memref_slice %arg7[%dma_start3A_353, %dma_start3A_355, %dma_start3A_356] : memref<6x128x64xf32, #tpu.memory_space<vmem>> -> memref<1x128x64xf32, #tpu.memory_space<vmem>>
        %dma_start3A_358 = tpu.memref_squeeze %dma_start3A_357 : memref<1x128x64xf32, #tpu.memory_space<vmem>> -> memref<128x64xf32, #tpu.memory_space<vmem>>
        %dma_start3A_359 = arith.constant 0 : i32
        %dma_start3A_360 = tpu.memref_slice %arg6[%add3A_352, %dma_start3A_359] : memref<200x128xi32, #tpu.memory_space<vmem>> -> memref<1x128xi32, #tpu.memory_space<vmem>>
        %dma_start3A_361 = tpu.memref_squeeze %dma_start3A_360 : memref<1x128xi32, #tpu.memory_space<vmem>> -> memref<128xi32, #tpu.memory_space<vmem>>
        %dma_start3A_362 = arith.constant 0 : i32
        %dma_start3A_363 = arith.constant 0 : i32
        %dma_start3A_364 = tpu.memref_slice %arg2[%dma_start3A_362, %dma_start3A_363] : memref<2000000x64xf32, #tpu.memory_space<hbm>> -> memref<2000000x64xf32, #tpu.memory_space<hbm>>
        %dma_start3A_365 = tpu.memref_slice %arg9[%dma_start3A_354] : memref<6x!tpu.dma_semaphore, #tpu.memory_space<semaphore_mem>> -> memref<1x!tpu.dma_semaphore, #tpu.memory_space<semaphore_mem>>
        %dma_start3A_366 = tpu.memref_squeeze %dma_start3A_365 : memref<1x!tpu.dma_semaphore, #tpu.memory_space<semaphore_mem>> -> memref<!tpu.dma_semaphore, #tpu.memory_space<semaphore_mem>>
        tpu.enqueue_indirect_dma source(%dma_start3A_364 : memref<2000000x64xf32, #tpu.memory_space<hbm>>) target(%dma_start3A_358 : memref<128x64xf32, #tpu.memory_space<vmem>>) offsets(%dma_start3A_361 : memref<128xi32, #tpu.memory_space<vmem>>) semaphore(%dma_start3A_366 : memref<!tpu.dma_semaphore, #tpu.memory_space<semaphore_mem>>) {add = true}
        %dma_wait3A_367 = arith.constant 1 : i32
        %dma_wait3A_368 = arith.constant 1 : i32
        %dma_wait3A_369 = arith.constant 0 : i32
        %dma_wait3A_370 = arith.constant 0 : i32
        %dma_wait3A_371 = tpu.memref_slice %arg7[%dma_wait3A_367, %dma_wait3A_369, %dma_wait3A_370] : memref<6x128x64xf32, #tpu.memory_space<vmem>> -> memref<1x128x64xf32, #tpu.memory_space<vmem>>
        %dma_wait3A_372 = tpu.memref_squeeze %dma_wait3A_371 : memref<1x128x64xf32, #tpu.memory_space<vmem>> -> memref<128x64xf32, #tpu.memory_space<vmem>>
        %dma_wait3A_373 = arith.constant 0 : i32
        %dma_wait3A_374 = arith.constant 0 : i32
        %dma_wait3A_375 = tpu.memref_slice %arg11[%dma_wait3A_373, %dma_wait3A_374] : memref<328x64xf32, #tpu.memory_space<vmem_shared>> -> memref<128x64xf32, #tpu.memory_space<vmem_shared>>
        %dma_wait3A_376 = tpu.memref_slice %arg8[%dma_wait3A_368] : memref<6x!tpu.dma_semaphore, #tpu.memory_space<semaphore_mem>> -> memref<1x!tpu.dma_semaphore, #tpu.memory_space<semaphore_mem>>
        %dma_wait3A_377 = tpu.memref_squeeze %dma_wait3A_376 : memref<1x!tpu.dma_semaphore, #tpu.memory_space<semaphore_mem>> -> memref<!tpu.dma_semaphore, #tpu.memory_space<semaphore_mem>>
        %dma_wait3A_378 = arith.constant 0 : i32
        %dma_wait3A_379 = arith.constant 0 : i32
        %dma_wait3A_380 = tpu.memref_slice %arg7[%dma_wait3A_367, %dma_wait3A_378, %dma_wait3A_379] : memref<6x128x64xf32, #tpu.memory_space<vmem>> -> memref<1x128x64xf32, #tpu.memory_space<vmem>>
        %dma_wait3A_381 = tpu.memref_squeeze %dma_wait3A_380 : memref<1x128x64xf32, #tpu.memory_space<vmem>> -> memref<128x64xf32, #tpu.memory_space<vmem>>
        %dma_wait3A_382 = arith.constant 0 : i32
        %dma_wait3A_383 = arith.constant 0 : i32
        %dma_wait3A_384 = tpu.memref_slice %arg11[%dma_wait3A_382, %dma_wait3A_383] : memref<328x64xf32, #tpu.memory_space<vmem_shared>> -> memref<128x64xf32, #tpu.memory_space<vmem_shared>>
        tpu.wait_dma2 semaphore(%dma_wait3A_377 : memref<!tpu.dma_semaphore, #tpu.memory_space<semaphore_mem>>) src(%dma_wait3A_384 : memref<128x64xf32, #tpu.memory_space<vmem_shared>>) dst(%dma_wait3A_381 : memref<128x64xf32, #tpu.memory_space<vmem>>)
        %add3A_385 = arith.constant 1 : i32
        %add3A_386 = arith.addi %add3A_309, %add3A_385 : i32
        %mul3A_387 = arith.constant 2 : i32
        %mul3A_388 = arith.muli %add3A_386, %mul3A_387 : i32
        %add3A_389 = arith.constant 1 : i32
        %add3A_390 = arith.addi %mul3A_388, %add3A_389 : i32
        %dma_start3A_391 = arith.constant 1 : i32
        %dma_start3A_392 = arith.constant 1 : i32
        %dma_start3A_393 = arith.constant 0 : i32
        %dma_start3A_394 = arith.constant 0 : i32
        %dma_start3A_395 = tpu.memref_slice %arg7[%dma_start3A_391, %dma_start3A_393, %dma_start3A_394] : memref<6x128x64xf32, #tpu.memory_space<vmem>> -> memref<1x128x64xf32, #tpu.memory_space<vmem>>
        %dma_start3A_396 = tpu.memref_squeeze %dma_start3A_395 : memref<1x128x64xf32, #tpu.memory_space<vmem>> -> memref<128x64xf32, #tpu.memory_space<vmem>>
        %dma_start3A_397 = arith.constant 0 : i32
        %dma_start3A_398 = tpu.memref_slice %arg6[%add3A_390, %dma_start3A_397] : memref<200x128xi32, #tpu.memory_space<vmem>> -> memref<1x128xi32, #tpu.memory_space<vmem>>
        %dma_start3A_399 = tpu.memref_squeeze %dma_start3A_398 : memref<1x128xi32, #tpu.memory_space<vmem>> -> memref<128xi32, #tpu.memory_space<vmem>>
        %dma_start3A_400 = arith.constant 0 : i32
        %dma_start3A_401 = arith.constant 0 : i32
        %dma_start3A_402 = tpu.memref_slice %arg2[%dma_start3A_400, %dma_start3A_401] : memref<2000000x64xf32, #tpu.memory_space<hbm>> -> memref<2000000x64xf32, #tpu.memory_space<hbm>>
        %dma_start3A_403 = tpu.memref_slice %arg9[%dma_start3A_392] : memref<6x!tpu.dma_semaphore, #tpu.memory_space<semaphore_mem>> -> memref<1x!tpu.dma_semaphore, #tpu.memory_space<semaphore_mem>>
        %dma_start3A_404 = tpu.memref_squeeze %dma_start3A_403 : memref<1x!tpu.dma_semaphore, #tpu.memory_space<semaphore_mem>> -> memref<!tpu.dma_semaphore, #tpu.memory_space<semaphore_mem>>
        tpu.enqueue_indirect_dma source(%dma_start3A_402 : memref<2000000x64xf32, #tpu.memory_space<hbm>>) target(%dma_start3A_396 : memref<128x64xf32, #tpu.memory_space<vmem>>) offsets(%dma_start3A_399 : memref<128xi32, #tpu.memory_space<vmem>>) semaphore(%dma_start3A_404 : memref<!tpu.dma_semaphore, #tpu.memory_space<semaphore_mem>>) {add = true}
      } else {
      }
      %lt3A_324 = arith.constant 100 : i32
      %lt3A_325 = arith.cmpi slt, %add3A_309, %lt3A_324 : i32
      %convert_element_type3A_326 = arith.extui %lt3A_325 : i1 to i32
      %cond3A_327 = arith.constant 0 : i32
      %cond3A_328 = arith.cmpi ne, %convert_element_type3A_326, %cond3A_327 : i32
      scf.if %cond3A_328 {
        %mul3A_329 = arith.constant 2 : i32
        %mul3A_330 = arith.muli %add3A_309, %mul3A_329 : i32
        %add3A_331 = arith.constant 0 : i32
        %add3A_332 = arith.addi %mul3A_330, %add3A_331 : i32
        %dma_wait3A_333 = arith.constant 4 : i32
        %dma_wait3A_334 = arith.constant 4 : i32
        %dma_wait3A_335 = arith.constant 0 : i32
        %dma_wait3A_336 = arith.constant 0 : i32
        %dma_wait3A_337 = tpu.memref_slice %arg7[%dma_wait3A_333, %dma_wait3A_335, %dma_wait3A_336] : memref<6x128x64xf32, #tpu.memory_space<vmem>> -> memref<1x128x64xf32, #tpu.memory_space<vmem>>
        %dma_wait3A_338 = tpu.memref_squeeze %dma_wait3A_337 : memref<1x128x64xf32, #tpu.memory_space<vmem>> -> memref<128x64xf32, #tpu.memory_space<vmem>>
        %dma_wait3A_339 = arith.constant 0 : i32
        %dma_wait3A_340 = tpu.memref_slice %arg6[%add3A_332, %dma_wait3A_339] : memref<200x128xi32, #tpu.memory_space<vmem>> -> memref<1x128xi32, #tpu.memory_space<vmem>>
        %dma_wait3A_341 = tpu.memref_squeeze %dma_wait3A_340 : memref<1x128xi32, #tpu.memory_space<vmem>> -> memref<128xi32, #tpu.memory_space<vmem>>
        %dma_wait3A_342 = arith.constant 0 : i32
        %dma_wait3A_343 = arith.constant 0 : i32
        %dma_wait3A_344 = tpu.memref_slice %arg2[%dma_wait3A_342, %dma_wait3A_343] : memref<2000000x64xf32, #tpu.memory_space<hbm>> -> memref<2000000x64xf32, #tpu.memory_space<hbm>>
        %dma_wait3A_345 = tpu.memref_slice %arg9[%dma_wait3A_334] : memref<6x!tpu.dma_semaphore, #tpu.memory_space<semaphore_mem>> -> memref<1x!tpu.dma_semaphore, #tpu.memory_space<semaphore_mem>>
        %dma_wait3A_346 = tpu.memref_squeeze %dma_wait3A_345 : memref<1x!tpu.dma_semaphore, #tpu.memory_space<semaphore_mem>> -> memref<!tpu.dma_semaphore, #tpu.memory_space<semaphore_mem>>
        tpu.wait_indirect_dma semaphore(%dma_wait3A_346 : memref<!tpu.dma_semaphore, #tpu.memory_space<semaphore_mem>>) src(%dma_wait3A_344 : memref<2000000x64xf32, #tpu.memory_space<hbm>>) dst(%dma_wait3A_338 : memref<128x64xf32, #tpu.memory_space<vmem>>)
        %mul3A_347 = arith.constant 2 : i32
        %mul3A_348 = arith.muli %add3A_309, %mul3A_347 : i32
        %add3A_349 = arith.constant 0 : i32
        %add3A_350 = arith.addi %mul3A_348, %add3A_349 : i32
        %mul3A_351 = arith.constant 128 : i32
        %mul3A_352 = arith.muli %add3A_350, %mul3A_351 : i32
        %add3A_353 = arith.addi %mul3A_2, %mul3A_352 : i32
        %dma_start3A_354 = arith.constant 4 : i32
        %dma_start3A_355 = arith.constant 4 : i32
        %dma_start3A_356 = arith.constant 0 : i32
        %dma_start3A_357 = arith.constant 0 : i32
        %dma_start3A_358 = tpu.memref_slice %arg7[%dma_start3A_354, %dma_start3A_356, %dma_start3A_357] : memref<6x128x64xf32, #tpu.memory_space<vmem>> -> memref<1x128x64xf32, #tpu.memory_space<vmem>>
        %dma_start3A_359 = tpu.memref_squeeze %dma_start3A_358 : memref<1x128x64xf32, #tpu.memory_space<vmem>> -> memref<128x64xf32, #tpu.memory_space<vmem>>
        %dma_start3A_360 = arith.constant 0 : i32
        %dma_start3A_361 = tpu.memref_slice %arg5[%add3A_353, %dma_start3A_360] : memref<819200x128xf32, #tpu.memory_space<hbm>> -> memref<128x64xf32, #tpu.memory_space<hbm>>
        %dma_start3A_362 = tpu.memref_slice %arg10[%dma_start3A_355] : memref<6x!tpu.dma_semaphore, #tpu.memory_space<semaphore_mem>> -> memref<1x!tpu.dma_semaphore, #tpu.memory_space<semaphore_mem>>
        %dma_start3A_363 = tpu.memref_squeeze %dma_start3A_362 : memref<1x!tpu.dma_semaphore, #tpu.memory_space<semaphore_mem>> -> memref<!tpu.dma_semaphore, #tpu.memory_space<semaphore_mem>>
        %dma_start3A_364 = arith.constant 0 : i32
        %dma_start3A_365 = tpu.memref_slice %arg5[%add3A_353, %dma_start3A_364] : memref<819200x128xf32, #tpu.memory_space<hbm>> -> memref<128x64xf32, #tpu.memory_space<hbm>>
        %dma_start3A_366 = arith.constant 0 : i32
        %dma_start3A_367 = arith.constant 0 : i32
        %dma_start3A_368 = tpu.memref_slice %arg7[%dma_start3A_354, %dma_start3A_366, %dma_start3A_367] : memref<6x128x64xf32, #tpu.memory_space<vmem>> -> memref<1x128x64xf32, #tpu.memory_space<vmem>>
        %dma_start3A_369 = tpu.memref_squeeze %dma_start3A_368 : memref<1x128x64xf32, #tpu.memory_space<vmem>> -> memref<128x64xf32, #tpu.memory_space<vmem>>
        tpu.enqueue_dma source(%dma_start3A_369 : memref<128x64xf32, #tpu.memory_space<vmem>>) target(%dma_start3A_365 : memref<128x64xf32, #tpu.memory_space<hbm>>) target_semaphore(%dma_start3A_363 : memref<!tpu.dma_semaphore, #tpu.memory_space<semaphore_mem>>)
        %mul3A_370 = arith.constant 2 : i32
        %mul3A_371 = arith.muli %add3A_309, %mul3A_370 : i32
        %add3A_372 = arith.constant 1 : i32
        %add3A_373 = arith.addi %mul3A_371, %add3A_372 : i32
        %dma_wait3A_374 = arith.constant 5 : i32
        %dma_wait3A_375 = arith.constant 5 : i32
        %dma_wait3A_376 = arith.constant 0 : i32
        %dma_wait3A_377 = arith.constant 0 : i32
        %dma_wait3A_378 = tpu.memref_slice %arg7[%dma_wait3A_374, %dma_wait3A_376, %dma_wait3A_377] : memref<6x128x64xf32, #tpu.memory_space<vmem>> -> memref<1x128x64xf32, #tpu.memory_space<vmem>>
        %dma_wait3A_379 = tpu.memref_squeeze %dma_wait3A_378 : memref<1x128x64xf32, #tpu.memory_space<vmem>> -> memref<128x64xf32, #tpu.memory_space<vmem>>
        %dma_wait3A_380 = arith.constant 0 : i32
        %dma_wait3A_381 = tpu.memref_slice %arg6[%add3A_373, %dma_wait3A_380] : memref<200x128xi32, #tpu.memory_space<vmem>> -> memref<1x128xi32, #tpu.memory_space<vmem>>
        %dma_wait3A_382 = tpu.memref_squeeze %dma_wait3A_381 : memref<1x128xi32, #tpu.memory_space<vmem>> -> memref<128xi32, #tpu.memory_space<vmem>>
        %dma_wait3A_383 = arith.constant 0 : i32
        %dma_wait3A_384 = arith.constant 0 : i32
        %dma_wait3A_385 = tpu.memref_slice %arg2[%dma_wait3A_383, %dma_wait3A_384] : memref<2000000x64xf32, #tpu.memory_space<hbm>> -> memref<2000000x64xf32, #tpu.memory_space<hbm>>
        %dma_wait3A_386 = tpu.memref_slice %arg9[%dma_wait3A_375] : memref<6x!tpu.dma_semaphore, #tpu.memory_space<semaphore_mem>> -> memref<1x!tpu.dma_semaphore, #tpu.memory_space<semaphore_mem>>
        %dma_wait3A_387 = tpu.memref_squeeze %dma_wait3A_386 : memref<1x!tpu.dma_semaphore, #tpu.memory_space<semaphore_mem>> -> memref<!tpu.dma_semaphore, #tpu.memory_space<semaphore_mem>>
        tpu.wait_indirect_dma semaphore(%dma_wait3A_387 : memref<!tpu.dma_semaphore, #tpu.memory_space<semaphore_mem>>) src(%dma_wait3A_385 : memref<2000000x64xf32, #tpu.memory_space<hbm>>) dst(%dma_wait3A_379 : memref<128x64xf32, #tpu.memory_space<vmem>>)
        %mul3A_388 = arith.constant 2 : i32
        %mul3A_389 = arith.muli %add3A_309, %mul3A_388 : i32
        %add3A_390 = arith.constant 1 : i32
        %add3A_391 = arith.addi %mul3A_389, %add3A_390 : i32
        %mul3A_392 = arith.constant 128 : i32
        %mul3A_393 = arith.muli %add3A_391, %mul3A_392 : i32
        %add3A_394 = arith.addi %mul3A_2, %mul3A_393 : i32
        %dma_start3A_395 = arith.constant 5 : i32
        %dma_start3A_396 = arith.constant 5 : i32
        %dma_start3A_397 = arith.constant 0 : i32
        %dma_start3A_398 = arith.constant 0 : i32
        %dma_start3A_399 = tpu.memref_slice %arg7[%dma_start3A_395, %dma_start3A_397, %dma_start3A_398] : memref<6x128x64xf32, #tpu.memory_space<vmem>> -> memref<1x128x64xf32, #tpu.memory_space<vmem>>
        %dma_start3A_400 = tpu.memref_squeeze %dma_start3A_399 : memref<1x128x64xf32, #tpu.memory_space<vmem>> -> memref<128x64xf32, #tpu.memory_space<vmem>>
        %dma_start3A_401 = arith.constant 0 : i32
        %dma_start3A_402 = tpu.memref_slice %arg5[%add3A_394, %dma_start3A_401] : memref<819200x128xf32, #tpu.memory_space<hbm>> -> memref<128x64xf32, #tpu.memory_space<hbm>>
        %dma_start3A_403 = tpu.memref_slice %arg10[%dma_start3A_396] : memref<6x!tpu.dma_semaphore, #tpu.memory_space<semaphore_mem>> -> memref<1x!tpu.dma_semaphore, #tpu.memory_space<semaphore_mem>>
        %dma_start3A_404 = tpu.memref_squeeze %dma_start3A_403 : memref<1x!tpu.dma_semaphore, #tpu.memory_space<semaphore_mem>> -> memref<!tpu.dma_semaphore, #tpu.memory_space<semaphore_mem>>
        %dma_start3A_405 = arith.constant 0 : i32
        %dma_start3A_406 = tpu.memref_slice %arg5[%add3A_394, %dma_start3A_405] : memref<819200x128xf32, #tpu.memory_space<hbm>> -> memref<128x64xf32, #tpu.memory_space<hbm>>
        %dma_start3A_407 = arith.constant 0 : i32
        %dma_start3A_408 = arith.constant 0 : i32
        %dma_start3A_409 = tpu.memref_slice %arg7[%dma_start3A_395, %dma_start3A_407, %dma_start3A_408] : memref<6x128x64xf32, #tpu.memory_space<vmem>> -> memref<1x128x64xf32, #tpu.memory_space<vmem>>
        %dma_start3A_410 = tpu.memref_squeeze %dma_start3A_409 : memref<1x128x64xf32, #tpu.memory_space<vmem>> -> memref<128x64xf32, #tpu.memory_space<vmem>>
        tpu.enqueue_dma source(%dma_start3A_410 : memref<128x64xf32, #tpu.memory_space<vmem>>) target(%dma_start3A_406 : memref<128x64xf32, #tpu.memory_space<hbm>>) target_semaphore(%dma_start3A_404 : memref<!tpu.dma_semaphore, #tpu.memory_space<semaphore_mem>>)
      } else {
      }
    }
    %scan3A_147 = arith.constant 34 : i32
    %dma_wait3A_148 = arith.constant 0 : i32
    %dma_wait3A_149 = arith.constant 0 : i32
    %dma_wait3A_150 = arith.constant 0 : i32
    %dma_wait3A_151 = arith.constant 0 : i32
    %dma_wait3A_152 = tpu.memref_slice %arg7[%dma_wait3A_148, %dma_wait3A_150, %dma_wait3A_151] : memref<6x128x64xf32, #tpu.memory_space<vmem>> -> memref<1x128x64xf32, #tpu.memory_space<vmem>>
    %dma_wait3A_153 = tpu.memref_squeeze %dma_wait3A_152 : memref<1x128x64xf32, #tpu.memory_space<vmem>> -> memref<128x64xf32, #tpu.memory_space<vmem>>
    %dma_wait3A_154 = arith.constant 0 : i32
    %dma_wait3A_155 = arith.constant 0 : i32
    %dma_wait3A_156 = tpu.memref_slice %arg4[%dma_wait3A_154, %dma_wait3A_155] : memref<328x64xf32, #tpu.memory_space<hbm>> -> memref<128x64xf32, #tpu.memory_space<hbm>>
    %dma_wait3A_157 = tpu.memref_slice %arg10[%dma_wait3A_149] : memref<6x!tpu.dma_semaphore, #tpu.memory_space<semaphore_mem>> -> memref<1x!tpu.dma_semaphore, #tpu.memory_space<semaphore_mem>>
    %dma_wait3A_158 = tpu.memref_squeeze %dma_wait3A_157 : memref<1x!tpu.dma_semaphore, #tpu.memory_space<semaphore_mem>> -> memref<!tpu.dma_semaphore, #tpu.memory_space<semaphore_mem>>
    %dma_wait3A_159 = arith.constant 0 : i32
    %dma_wait3A_160 = arith.constant 0 : i32
    %dma_wait3A_161 = tpu.memref_slice %arg7[%dma_wait3A_148, %dma_wait3A_159, %dma_wait3A_160] : memref<6x128x64xf32, #tpu.memory_space<vmem>> -> memref<1x128x64xf32, #tpu.memory_space<vmem>>
    %dma_wait3A_162 = tpu.memref_squeeze %dma_wait3A_161 : memref<1x128x64xf32, #tpu.memory_space<vmem>> -> memref<128x64xf32, #tpu.memory_space<vmem>>
    %dma_wait3A_163 = arith.constant 0 : i32
    %dma_wait3A_164 = arith.constant 0 : i32
    %dma_wait3A_165 = tpu.memref_slice %arg4[%dma_wait3A_163, %dma_wait3A_164] : memref<328x64xf32, #tpu.memory_space<hbm>> -> memref<128x64xf32, #tpu.memory_space<hbm>>
    tpu.wait_dma2 semaphore(%dma_wait3A_158 : memref<!tpu.dma_semaphore, #tpu.memory_space<semaphore_mem>>) src(%dma_wait3A_165 : memref<128x64xf32, #tpu.memory_space<hbm>>) dst(%dma_wait3A_162 : memref<128x64xf32, #tpu.memory_space<vmem>>)
    %dma_wait3A_166 = arith.constant 1 : i32
    %dma_wait3A_167 = arith.constant 1 : i32
    %dma_wait3A_168 = arith.constant 0 : i32
    %dma_wait3A_169 = arith.constant 0 : i32
    %dma_wait3A_170 = tpu.memref_slice %arg7[%dma_wait3A_166, %dma_wait3A_168, %dma_wait3A_169] : memref<6x128x64xf32, #tpu.memory_space<vmem>> -> memref<1x128x64xf32, #tpu.memory_space<vmem>>
    %dma_wait3A_171 = tpu.memref_squeeze %dma_wait3A_170 : memref<1x128x64xf32, #tpu.memory_space<vmem>> -> memref<128x64xf32, #tpu.memory_space<vmem>>
    %dma_wait3A_172 = arith.constant 0 : i32
    %dma_wait3A_173 = arith.constant 0 : i32
    %dma_wait3A_174 = tpu.memref_slice %arg4[%dma_wait3A_172, %dma_wait3A_173] : memref<328x64xf32, #tpu.memory_space<hbm>> -> memref<128x64xf32, #tpu.memory_space<hbm>>
    %dma_wait3A_175 = tpu.memref_slice %arg10[%dma_wait3A_167] : memref<6x!tpu.dma_semaphore, #tpu.memory_space<semaphore_mem>> -> memref<1x!tpu.dma_semaphore, #tpu.memory_space<semaphore_mem>>
    %dma_wait3A_176 = tpu.memref_squeeze %dma_wait3A_175 : memref<1x!tpu.dma_semaphore, #tpu.memory_space<semaphore_mem>> -> memref<!tpu.dma_semaphore, #tpu.memory_space<semaphore_mem>>
    %dma_wait3A_177 = arith.constant 0 : i32
    %dma_wait3A_178 = arith.constant 0 : i32
    %dma_wait3A_179 = tpu.memref_slice %arg7[%dma_wait3A_166, %dma_wait3A_177, %dma_wait3A_178] : memref<6x128x64xf32, #tpu.memory_space<vmem>> -> memref<1x128x64xf32, #tpu.memory_space<vmem>>
    %dma_wait3A_180 = tpu.memref_squeeze %dma_wait3A_179 : memref<1x128x64xf32, #tpu.memory_space<vmem>> -> memref<128x64xf32, #tpu.memory_space<vmem>>
    %dma_wait3A_181 = arith.constant 0 : i32
    %dma_wait3A_182 = arith.constant 0 : i32
    %dma_wait3A_183 = tpu.memref_slice %arg4[%dma_wait3A_181, %dma_wait3A_182] : memref<328x64xf32, #tpu.memory_space<hbm>> -> memref<128x64xf32, #tpu.memory_space<hbm>>
    tpu.wait_dma2 semaphore(%dma_wait3A_176 : memref<!tpu.dma_semaphore, #tpu.memory_space<semaphore_mem>>) src(%dma_wait3A_183 : memref<128x64xf32, #tpu.memory_space<hbm>>) dst(%dma_wait3A_180 : memref<128x64xf32, #tpu.memory_space<vmem>>)
    %dma_wait3A_184 = arith.constant 2 : i32
    %dma_wait3A_185 = arith.constant 2 : i32
    %dma_wait3A_186 = arith.constant 0 : i32
    %dma_wait3A_187 = arith.constant 0 : i32
    %dma_wait3A_188 = tpu.memref_slice %arg7[%dma_wait3A_184, %dma_wait3A_186, %dma_wait3A_187] : memref<6x128x64xf32, #tpu.memory_space<vmem>> -> memref<1x128x64xf32, #tpu.memory_space<vmem>>
    %dma_wait3A_189 = tpu.memref_squeeze %dma_wait3A_188 : memref<1x128x64xf32, #tpu.memory_space<vmem>> -> memref<128x64xf32, #tpu.memory_space<vmem>>
    %dma_wait3A_190 = arith.constant 0 : i32
    %dma_wait3A_191 = arith.constant 0 : i32
    %dma_wait3A_192 = tpu.memref_slice %arg4[%dma_wait3A_190, %dma_wait3A_191] : memref<328x64xf32, #tpu.memory_space<hbm>> -> memref<128x64xf32, #tpu.memory_space<hbm>>
    %dma_wait3A_193 = tpu.memref_slice %arg10[%dma_wait3A_185] : memref<6x!tpu.dma_semaphore, #tpu.memory_space<semaphore_mem>> -> memref<1x!tpu.dma_semaphore, #tpu.memory_space<semaphore_mem>>
    %dma_wait3A_194 = tpu.memref_squeeze %dma_wait3A_193 : memref<1x!tpu.dma_semaphore, #tpu.memory_space<semaphore_mem>> -> memref<!tpu.dma_semaphore, #tpu.memory_space<semaphore_mem>>
    %dma_wait3A_195 = arith.constant 0 : i32
    %dma_wait3A_196 = arith.constant 0 : i32
    %dma_wait3A_197 = tpu.memref_slice %arg7[%dma_wait3A_184, %dma_wait3A_195, %dma_wait3A_196] : memref<6x128x64xf32, #tpu.memory_space<vmem>> -> memref<1x128x64xf32, #tpu.memory_space<vmem>>
    %dma_wait3A_198 = tpu.memref_squeeze %dma_wait3A_197 : memref<1x128x64xf32, #tpu.memory_space<vmem>> -> memref<128x64xf32, #tpu.memory_space<vmem>>
    %dma_wait3A_199 = arith.constant 0 : i32
    %dma_wait3A_200 = arith.constant 0 : i32
    %dma_wait3A_201 = tpu.memref_slice %arg4[%dma_wait3A_199, %dma_wait3A_200] : memref<328x64xf32, #tpu.memory_space<hbm>> -> memref<128x64xf32, #tpu.memory_space<hbm>>
    tpu.wait_dma2 semaphore(%dma_wait3A_194 : memref<!tpu.dma_semaphore, #tpu.memory_space<semaphore_mem>>) src(%dma_wait3A_201 : memref<128x64xf32, #tpu.memory_space<hbm>>) dst(%dma_wait3A_198 : memref<128x64xf32, #tpu.memory_space<vmem>>)
    %dma_wait3A_202 = arith.constant 3 : i32
    %dma_wait3A_203 = arith.constant 3 : i32
    %dma_wait3A_204 = arith.constant 0 : i32
    %dma_wait3A_205 = arith.constant 0 : i32
    %dma_wait3A_206 = tpu.memref_slice %arg7[%dma_wait3A_202, %dma_wait3A_204, %dma_wait3A_205] : memref<6x128x64xf32, #tpu.memory_space<vmem>> -> memref<1x128x64xf32, #tpu.memory_space<vmem>>
    %dma_wait3A_207 = tpu.memref_squeeze %dma_wait3A_206 : memref<1x128x64xf32, #tpu.memory_space<vmem>> -> memref<128x64xf32, #tpu.memory_space<vmem>>
    %dma_wait3A_208 = arith.constant 0 : i32
    %dma_wait3A_209 = arith.constant 0 : i32
    %dma_wait3A_210 = tpu.memref_slice %arg4[%dma_wait3A_208, %dma_wait3A_209] : memref<328x64xf32, #tpu.memory_space<hbm>> -> memref<128x64xf32, #tpu.memory_space<hbm>>
    %dma_wait3A_211 = tpu.memref_slice %arg10[%dma_wait3A_203] : memref<6x!tpu.dma_semaphore, #tpu.memory_space<semaphore_mem>> -> memref<1x!tpu.dma_semaphore, #tpu.memory_space<semaphore_mem>>
    %dma_wait3A_212 = tpu.memref_squeeze %dma_wait3A_211 : memref<1x!tpu.dma_semaphore, #tpu.memory_space<semaphore_mem>> -> memref<!tpu.dma_semaphore, #tpu.memory_space<semaphore_mem>>
    %dma_wait3A_213 = arith.constant 0 : i32
    %dma_wait3A_214 = arith.constant 0 : i32
    %dma_wait3A_215 = tpu.memref_slice %arg7[%dma_wait3A_202, %dma_wait3A_213, %dma_wait3A_214] : memref<6x128x64xf32, #tpu.memory_space<vmem>> -> memref<1x128x64xf32, #tpu.memory_space<vmem>>
    %dma_wait3A_216 = tpu.memref_squeeze %dma_wait3A_215 : memref<1x128x64xf32, #tpu.memory_space<vmem>> -> memref<128x64xf32, #tpu.memory_space<vmem>>
    %dma_wait3A_217 = arith.constant 0 : i32
    %dma_wait3A_218 = arith.constant 0 : i32
    %dma_wait3A_219 = tpu.memref_slice %arg4[%dma_wait3A_217, %dma_wait3A_218] : memref<328x64xf32, #tpu.memory_space<hbm>> -> memref<128x64xf32, #tpu.memory_space<hbm>>
    tpu.wait_dma2 semaphore(%dma_wait3A_212 : memref<!tpu.dma_semaphore, #tpu.memory_space<semaphore_mem>>) src(%dma_wait3A_219 : memref<128x64xf32, #tpu.memory_space<hbm>>) dst(%dma_wait3A_216 : memref<128x64xf32, #tpu.memory_space<vmem>>)
    %dma_wait3A_220 = arith.constant 4 : i32
    %dma_wait3A_221 = arith.constant 4 : i32
    %dma_wait3A_222 = arith.constant 0 : i32
    %dma_wait3A_223 = arith.constant 0 : i32
    %dma_wait3A_224 = tpu.memref_slice %arg7[%dma_wait3A_220, %dma_wait3A_222, %dma_wait3A_223] : memref<6x128x64xf32, #tpu.memory_space<vmem>> -> memref<1x128x64xf32, #tpu.memory_space<vmem>>
    %dma_wait3A_225 = tpu.memref_squeeze %dma_wait3A_224 : memref<1x128x64xf32, #tpu.memory_space<vmem>> -> memref<128x64xf32, #tpu.memory_space<vmem>>
    %dma_wait3A_226 = arith.constant 0 : i32
    %dma_wait3A_227 = arith.constant 0 : i32
    %dma_wait3A_228 = tpu.memref_slice %arg4[%dma_wait3A_226, %dma_wait3A_227] : memref<328x64xf32, #tpu.memory_space<hbm>> -> memref<128x64xf32, #tpu.memory_space<hbm>>
    %dma_wait3A_229 = tpu.memref_slice %arg10[%dma_wait3A_221] : memref<6x!tpu.dma_semaphore, #tpu.memory_space<semaphore_mem>> -> memref<1x!tpu.dma_semaphore, #tpu.memory_space<semaphore_mem>>
    %dma_wait3A_230 = tpu.memref_squeeze %dma_wait3A_229 : memref<1x!tpu.dma_semaphore, #tpu.memory_space<semaphore_mem>> -> memref<!tpu.dma_semaphore, #tpu.memory_space<semaphore_mem>>
    %dma_wait3A_231 = arith.constant 0 : i32
    %dma_wait3A_232 = arith.constant 0 : i32
    %dma_wait3A_233 = tpu.memref_slice %arg7[%dma_wait3A_220, %dma_wait3A_231, %dma_wait3A_232] : memref<6x128x64xf32, #tpu.memory_space<vmem>> -> memref<1x128x64xf32, #tpu.memory_space<vmem>>
    %dma_wait3A_234 = tpu.memref_squeeze %dma_wait3A_233 : memref<1x128x64xf32, #tpu.memory_space<vmem>> -> memref<128x64xf32, #tpu.memory_space<vmem>>
    %dma_wait3A_235 = arith.constant 0 : i32
    %dma_wait3A_236 = arith.constant 0 : i32
    %dma_wait3A_237 = tpu.memref_slice %arg4[%dma_wait3A_235, %dma_wait3A_236] : memref<328x64xf32, #tpu.memory_space<hbm>> -> memref<128x64xf32, #tpu.memory_space<hbm>>
    tpu.wait_dma2 semaphore(%dma_wait3A_230 : memref<!tpu.dma_semaphore, #tpu.memory_space<semaphore_mem>>) src(%dma_wait3A_237 : memref<128x64xf32, #tpu.memory_space<hbm>>) dst(%dma_wait3A_234 : memref<128x64xf32, #tpu.memory_space<vmem>>)
    %dma_wait3A_238 = arith.constant 5 : i32
    %dma_wait3A_239 = arith.constant 5 : i32
    %dma_wait3A_240 = arith.constant 0 : i32
    %dma_wait3A_241 = arith.constant 0 : i32
    %dma_wait3A_242 = tpu.memref_slice %arg7[%dma_wait3A_238, %dma_wait3A_240, %dma_wait3A_241] : memref<6x128x64xf32, #tpu.memory_space<vmem>> -> memref<1x128x64xf32, #tpu.memory_space<vmem>>
    %dma_wait3A_243 = tpu.memref_squeeze %dma_wait3A_242 : memref<1x128x64xf32, #tpu.memory_space<vmem>> -> memref<128x64xf32, #tpu.memory_space<vmem>>
    %dma_wait3A_244 = arith.constant 0 : i32
    %dma_wait3A_245 = arith.constant 0 : i32
    %dma_wait3A_246 = tpu.memref_slice %arg4[%dma_wait3A_244, %dma_wait3A_245] : memref<328x64xf32, #tpu.memory_space<hbm>> -> memref<128x64xf32, #tpu.memory_space<hbm>>
    %dma_wait3A_247 = tpu.memref_slice %arg10[%dma_wait3A_239] : memref<6x!tpu.dma_semaphore, #tpu.memory_space<semaphore_mem>> -> memref<1x!tpu.dma_semaphore, #tpu.memory_space<semaphore_mem>>
    %dma_wait3A_248 = tpu.memref_squeeze %dma_wait3A_247 : memref<1x!tpu.dma_semaphore, #tpu.memory_space<semaphore_mem>> -> memref<!tpu.dma_semaphore, #tpu.memory_space<semaphore_mem>>
    %dma_wait3A_249 = arith.constant 0 : i32
    %dma_wait3A_250 = arith.constant 0 : i32
    %dma_wait3A_251 = tpu.memref_slice %arg7[%dma_wait3A_238, %dma_wait3A_249, %dma_wait3A_250] : memref<6x128x64xf32, #tpu.memory_space<vmem>> -> memref<1x128x64xf32, #tpu.memory_space<vmem>>
    %dma_wait3A_252 = tpu.memref_squeeze %dma_wait3A_251 : memref<1x128x64xf32, #tpu.memory_space<vmem>> -> memref<128x64xf32, #tpu.memory_space<vmem>>
    %dma_wait3A_253 = arith.constant 0 : i32
    %dma_wait3A_254 = arith.constant 0 : i32
    %dma_wait3A_255 = tpu.memref_slice %arg4[%dma_wait3A_253, %dma_wait3A_254] : memref<328x64xf32, #tpu.memory_space<hbm>> -> memref<128x64xf32, #tpu.memory_space<hbm>>
    tpu.wait_dma2 semaphore(%dma_wait3A_248 : memref<!tpu.dma_semaphore, #tpu.memory_space<semaphore_mem>>) src(%dma_wait3A_255 : memref<128x64xf32, #tpu.memory_space<hbm>>) dst(%dma_wait3A_252 : memref<128x64xf32, #tpu.memory_space<vmem>>)
    return
  }
}

</mosaic_0001>

<sc_bundles>
// kernel: _embed.3.cloned.1.call-start
scs
__scs_entry_jumppad:
0x0: {  	(pc) =	sbr.rel $0x88, $3  }
0x1: {  	(tag) =	ssettag $0x0;
	lr =	simm.s32 $0x1  }
0x2: {  	[smem:$0x3F9E] =	sst lr;
	_ =	strace $0xD0000000  }
0x3: {  	_ = 	snop  }
0x4: {  	_ = 	snop  }
0x5: {  	_ = 	snop  }
0x6: {  	_ = 	snop  }
0x7: {  	_ = 	snop  }
__scs_overlays_trampoline_lowered:
0x8: {  	[smem:$0x3FAD] =	sst s0  }
0x9: {  	[smem:$0x3FAE] =	sst s1  }
0xa: {  	[smem:$0x3FAF] =	sst s2  }
0xb: {  	[smem:$0x3FB0] =	sst s3  }
0xc: {  	[smem:$0x3FB1] =	sst s4  }
0xd: {  	[smem:$0x3FB2] =	sst s5  }
0xe: {  	[smem:$0x3FB3] =	sst s6  }
0xf: {  	[smem:$0x3FB4] =	sst s7  }
0x10: {  	[smem:$0x3FB5] =	sst s8  }
0x11: {  	[smem:$0x3FB6] =	sst s9;
	s0 =	simm.s32 @!p0 $0x0  }
0x12: {  	s1 =	sld [smem:$0x3F9C];
	s0 =	simm.s32 @p0 $0x1  }
0x13: {  	[smem:$0x3FB7] =	sst s0;
	s0 =	simm.s32 @!p1 $0x0  }
0x14: {  	s2 =	sld [smem:$0x3F9B];
	s0 =	simm.s32 @p1 $0x1  }
0x15: {  	[smem:$0x3FB8] =	sst s0;
	s0 =	simm.s32 @!p2 $0x0  }
0x16: {  	s3 =	sld [smem:$0x3FDB];
	s0 =	simm.s32 @p2 $0x1  }
0x17: {  	s4 =	simm.s32 $0x1BF5;
	[smem:$0x3FBA] =	sst s0  }
0x18: {  	s0 =	sld [smem:$0x3F9D];
	_ =	swait.ge [sflag:s4], $0x0  }
0x19: {  	s7 =	sld [smem:$0x3F9E]  }
0x1a: {  	s8 =	sadd.s32 $0xFFFFE003, lr  }
0x1b: {  	s9 =	sadd.s32 $0xFFFFFEF7, lr;
	s5 =	simm.s32 $0xFFFFFFFF;
	p2 =	slt.u32 s8, $0xFFFFF086  }
0x1c: {  	p1 =	slt.u32 s9, $0xF7A;
	s5 =	simm.s32 @!p2 $0x0  }
0x1d: {  	s5 =	simm.s32 @p1 $0x1;
	p0 =	seq.s32 s7, s2  }
0x1e: {  	s7 =	smul.u32 @!p0 $0xF7A, s2;
	p2 =	seq.s32 @!p0 s5, $0x0  }
0x1f: {  	s9 =	smul.u32 $0xF7A, s1;
	s8 =	simm.s32 @!p0 $0x1BF5;
	p2 =	por !p2, p0  }
0x20: {  	[sflag:s8] =	ssyncset.s32 @!p0 $0xFFFFF086;
	s6 =	sadd.s32 @!p0 s3, s7;
	s7 =	simm.s32 @!p0 $0x108  }
0x21: {  	s3 =	sadd.s32 s3, s9;
	s6 =	sadd.s32 @!p0 $0x88, s6;
	s7 =	simm.s32 @p2 $0x1082  }
0x22: {  	[simem:s7], [sflag:s8] =	dma.local @!p0 [hbm:s6], $0xF7A  }
0x23: {  	s9 =	sor.u32 $0xD0000000, s2;
	s6 =	simm.s32 $0x108;
	_ =	swait.ge @!p0 [sflag:s8], $0x0  }
0x24: {  	s3 =	sadd.s32 $0x88, s3;
	s6 =	simm.s32 @!p1 $0x1082;
	[sflag:s4] =	ssyncset.s32 $0xFFFFF086  }
0x25: {  	[simem:s6], [sflag:s4] =	dma.local [hbm:s3], $0xF7A  }
0x26: {  	[smem:$0x3F9E] =	sst s1;
	(tag) =	ssettag s2;
	_ =	strace s9  }
0x27: {  	s1 =	sld [smem:$0x3FAE]  }
0x28: {  	s2 =	sld [smem:$0x3FAF]  }
0x29: {  	s4 =	sld [smem:$0x3FB1]  }
0x2a: {  	p0 =	seq.s32 s5, $0x0;
	s5 =	sld [smem:$0x3FB2]  }
0x2b: {  	s6 =	sld [smem:$0x3FB3]  }
0x2c: {  	s7 =	sld [smem:$0x3FB4]  }
0x2d: {  	s3 =	simm.s32 $0x108;
	s8 =	sld [smem:$0x3FB5]  }
0x2e: {  	s3 =	simm.s32 @!p0 $0x1082;
	s9 =	sld [smem:$0x3FB6]  }
0x2f: {  	lr =	sadd.s32 s0, s3;
	s0 =	sld [smem:$0x3FAD]  }
0x30: {  	s3 =	sld [smem:$0x3FB0]  }
0x31: {  	[smem:$0x3FB9] =	sst s10  }
0x32: {  	s10 =	sld [smem:$0x3FB7];
	_ =	sdelay $0x3  }
0x33: {  	p0 =	seq.s32 s10, $0x1;
	s10 =	sld [smem:$0x3FB9];
	_ =	sdelay $0x3  }
0x34: {  	[smem:$0x3FB9] =	sst s10  }
0x35: {  	s10 =	sld [smem:$0x3FB8];
	_ =	sdelay $0x3  }
0x36: {  	p1 =	seq.s32 s10, $0x1;
	s10 =	sld [smem:$0x3FB9];
	_ =	sdelay $0x3  }
0x37: {  	[smem:$0x3FB9] =	sst s10  }
0x38: {  	s10 =	sld [smem:$0x3FBA]  }
0x39: {  	_ = 	snop;
	(pc) =	sbr.ind lr, $3  }
0x3a: {  	_ = 	snop  }
0x3b: {  	_ = 	snop  }
0x3c: {  	p2 =	seq.s32 s10, $0x1;
	s10 =	sld [smem:$0x3FB9]  }
0x3d: {  	_ =	shalt  }
0x3e: {  	_ =	shalt  }
0x3f: {  	_ =	shalt  }
0x40: {  	_ =	shalt  }
0x41: {  	_ =	shalt  }
0x42: {  	_ =	shalt  }
0x43: {  	_ =	shalt  }
0x44: {  	_ =	shalt  }
0x45: {  	_ =	shalt  }
0x46: {  	_ =	shalt  }
0x47: {  	_ =	shalt  }
0x48: {  	_ =	shalt  }
0x49: {  	_ =	shalt  }
0x4a: {  	_ =	shalt  }
0x4b: {  	_ =	shalt  }
0x4c: {  	_ =	shalt  }
0x4d: {  	_ =	shalt  }
0x4e: {  	_ =	shalt  }
0x4f: {  	_ =	shalt  }
0x50: {  	_ =	shalt  }
0x51: {  	_ =	shalt  }
0x52: {  	_ =	shalt  }
0x53: {  	_ =	shalt  }
0x54: {  	_ =	shalt  }
0x55: {  	_ =	shalt  }
0x56: {  	_ =	shalt  }
0x57: {  	_ =	shalt  }
0x58: {  	_ =	shalt  }
0x59: {  	_ =	shalt  }
0x5a: {  	_ =	shalt  }
0x5b: {  	_ =	shalt  }
0x5c: {  	_ =	shalt  }
0x5d: {  	_ =	shalt  }
0x5e: {  	_ =	shalt  }
0x5f: {  	_ =	shalt  }
0x60: {  	_ =	shalt  }
0x61: {  	_ =	shalt  }
0x62: {  	_ =	shalt  }
0x63: {  	_ =	shalt  }
0x64: {  	_ =	shalt  }
0x65: {  	_ =	shalt  }
0x66: {  	_ =	shalt  }
0x67: {  	_ =	shalt  }
0x68: {  	_ =	shalt  }
0x69: {  	_ =	shalt  }
0x6a: {  	_ =	shalt  }
0x6b: {  	_ =	shalt  }
0x6c: {  	_ =	shalt  }
0x6d: {  	_ =	shalt  }
0x6e: {  	_ =	shalt  }
0x6f: {  	_ =	shalt  }
0x70: {  	_ =	shalt  }
0x71: {  	_ =	shalt  }
0x72: {  	_ =	shalt  }
0x73: {  	_ =	shalt  }
0x74: {  	_ =	shalt  }
0x75: {  	_ =	shalt  }
0x76: {  	_ =	shalt  }
0x77: {  	_ =	shalt  }
0x78: {  	_ =	shalt  }
0x79: {  	_ =	shalt  }
0x7a: {  	_ =	shalt  }
0x7b: {  	_ =	shalt  }
0x7c: {  	_ =	shalt  }
0x7d: {  	_ =	shalt  }
0x7e: {  	_ =	shalt  }
0x7f: {  	_ =	shalt  }
0x80: {  	_ =	shalt  }
0x81: {  	_ =	shalt  }
0x82: {  	_ =	shalt  }
0x83: {  	_ =	shalt  }
0x84: {  	_ =	shalt  }
0x85: {  	_ =	shalt  }
0x86: {  	_ =	shalt  }
0x87: {  	_ =	shalt  }
.Lfunc_end0:
.L_simem_size_0:
called_computation_lowered:
.L_overlay_start_0:
0x88: {  	s2 =	sld [smem:$0x3FD9]  }
0x89: {  	s3 =	sld [smem:$0x3FFE];
	_ =	sdelay $0x1  }
0x8a: {  	s1 =	srdreg.scid  }
0x8b: {  	s0 =	sand.u32 $0x1, s1  }
0x8c: {  	s17 =	sshll.u32 s0, $0xA;
	s2 =	sadd.s32 s3, s2  }
0x8d: {  	s2 =	sadd.s32 s2, s17  }
0x8e: {  	[smem:$0x3FC5] =	sst s2  }
0x8f: {  	_ = 	snop  }
0x90: {  	s2 =	sld [smem:$0x3FC8]  }
0x91: {  	s18 =	sld [smem:$0x3FD0];
	(tm) =	ssettm $0x1  }
0x92: {  	s4 =	sld [smem:$0x3FFB];
	_ =	sdelay $0x3  }
0x93: {  	_ =	strace s4  }
0x94: {  	s4 =	sld [smem:$0x3FFC];
	_ =	sdelay $0x3  }
0x95: {  	_ =	strace s4  }
0x96: {  	s4 =	sld [smem:$0x3FFD];
	_ =	sdelay $0x3  }
0x97: {  	_ =	strace s4  }
0x98: {  	_ =	strace $0x8FFFFFFF  }
0x99: {  	s19 =	sld [smem:$0x3FDB];
	_ =	sdelay $0x1  }
0x9a: {  	s5 =	simm.s32 $_scs_section_size  }
0x9b: {  	s6 =	simm.s32 $_size__tile_overlayer_lowered;
	s7 =	simm.s32 $_tile_overlayer_lowered  }
0x9c: {  	s22 =	simm.s32 $0x1BFF;
	s21 =	sshll.u32 s7, $0x1;
	s4 =	sadd.s32 s5, s19  }
0x9d: {  	s8 =	simm.s32 $0x0;
	s20 =	sshll.u32 s6, $0x1;
	s6 =	sadd.s32 s21, s4  }
0x9e: {  	[timem:s8], [sflag:s22] =	dma.local [hbm:s6], s20  }
0x9f: {  	_ =	swait.ge [sflag:s22], s20  }
0xa0: {  	s5 =	ssub.s32 $0x0, s20;
	[sflag:s22] =	ssyncset.done $0x0  }
0xa1: {  	[sflag:s22] =	ssyncadd.s32 s5;
	_ =	sdelay $0x1  }
0xa2: {  	s23 =	simm.s32 $0x1B8B  }
0xa3: {  	_ =	swait.ge [sflag:s23], $0x1  }
0xa4: {  	[sflag:s23] =	ssyncset.done $0x0  }
0xa5: {  	s25 =	simm.s32 $0x1B8E;
	s24 =	sld [smem:$0x3FFE];
	[sflag:s23] =	ssyncadd.s32 $0xFFFFFFFF  }
0xa6: {  	s26 =	simm.s32 $execute0_lowered;
	[smem:$0x3FD2] =	sst s25  }
0xa7: {  	s6 =	sshll.u32 s26, $0x1;
	_ =	strace $0x80000046;
	[dreg:$0x1] =	wrdreg $0xFFFFFFFF  }
0xa8: {  	s28 =	simm.s32 $_size_execute0_lowered;
	s4 =	sadd.s32 s4, s6;
	[dreg:$0x0] =	wrdreg $0x0  }
0xa9: {  	s6 =	sshll.u32 s28, $0x1;
	[dreg:$0x2] =	wrdreg s4  }
0xaa: {  	[dreg:$0x3] =	wrdreg s6  }
0xab: {  	[dreg:$0x4] =	wrdreg $0xC0  }
0xac: {  	_ =	task [dreg:s8], $0x5FFFF  }
0xad: {  	[dreg:$0x1] =	wrdreg $0xFFFFFFFF  }
0xae: {  	[dreg:$0x0] =	wrdreg $0x60  }
0xaf: {  	[dreg:$0x2] =	wrdreg s24  }
0xb0: {  	[dreg:$0x3] =	wrdreg s2  }
0xb1: {  	[dreg:$0x4] =	wrdreg s18  }
0xb2: {  	[dreg:$0x5] =	wrdreg $0x124000  }
0xb3: {  	[dreg:$0x6] =	wrdreg $0x9  }
0xb4: {  	_ =	task.clear_ibuf [dreg:s8], $0x7FFFF;
	_ =	strace $0x90000046  }
0xb5: {  	s29 =	simm.s32 $0x9;
	_ =	strace $0x80000048  }
0xb6: {  	_ =	swait.ge [sflag:s29], $0x1  }
0xb7: {  	[sflag:s29] =	ssyncadd.s32 $0xFFFFFFFF  }
0xb8: {  	_ =	strace $0x90000048  }
0xb9: {  	_ =	sfence  }
0xba: {  	s30 =	sld [smem:$0x0];
	_ =	sdelay $0x2  }
0xbb: {  	s31 =	sshll.u32 s1, $0xD;
	s1 =	sshrl.u32 s1, $0x2  }
0xbc: {  	s3 =	sand.u32 $0x4000, s31;
	s1 =	sadd.s32 s1, s30  }
0xbd: {  	s0 =	sor.u32 s3, s0;
	s1 =	sshll.u32 s1, $0x11  }
0xbe: {  	s0 =	sor.u32 s1, s0  }
0xbf: {  	s0 =	sadd.s32 $0x8F2B, s0  }
0xc0: {  	[sflag:s0] =	ssyncadd.remote.s32 $0x1  }
0xc1: {  	_ =	sfence.sel $0xFFFF  }
0xc2: {  	[dreg:$0x0] =	wrdreg $0xFFFFFFFF;
	(pc) =	sbr.abs _section_cstart, $3  }
0xc3: {  	[dreg:$0x1] =	wrdreg $0xFFFFFFFF  }
0xc4: {  	_ =	task.clear_ibuf [dreg:s8], $0x2FFFF;
	_ =	strace $0x9FFFFFFF  }
0xc5: {  	(tm) =	ssettm $0x7FFFFFFF  }
tec
execute0_lowered:
.L_overlay_start_1:
0x0: {  	(tag) =	ssettag $0x1  }
0x1: {  	s0 =	rddreg [dreg:$0x0]  }
0x2: {  	s1 =	rddreg [dreg:$0x1]  }
0x3: {  	s23 =	rddreg [dreg:$0x2]  }
0x4: {  	s3 =	srdreg.scid;
	s6 =	stileid.u32  }
0x5: {  	s2 =	rddreg [dreg:$0x3];
	s5 =	simm.s32 $0x0;
	s29 =	simm.s32 $0x3  }
0x6: {  	s30 =	simm.s32 $0x4;
	s31 =	simm.s32 $0x7;
	s3 =	sand.u32 $0x1, s3  }
0x7: {  	s4 =	sshll.u32 s6, $0x1;
	[smem:$0x7FF] =	sst s5;
	s10 =	smul.u32 $0xC800, s6  }
0x8: {  	s5 =	sadd.s32 $0x1E84E00, s0;
	s0 =	sadd.s32 $0x600, s0;
	s20 =	smul.u32 $0xC8000, s6  }
0x9: {  	s19 =	sadd.s32 $0x2000, s2;
	s21 =	sadd.s32 $0xE00, s2;
	s24 =	smul.u32 $0x640000, s6  }
0xa: {  	s22 =	sadd.s32 $0x2E00, s2;
	s7 =	sor.u32 s3, s4;
	s18 =	smul.u32 $0x6400, s3  }
0xb: {  	_ =	strace $0x80000047;
	[dreg:$0x5] =	wrdreg s0;
	s25 =	smul.u32 $0x320000, s3  }
0xc: {  	s9 =	ssub.s32 $0x2, s3;
	[dreg:$0x7] =	wrdreg s19;
	s3 =	smul.u32 $0x64000, s3  }
0xd: {  	s11 =	sadd.s32 $0x1C00, s2;
	[dreg:$0x8] =	wrdreg s21;
	s8 =	smul.u32 $0x6400, s7  }
0xe: {  	p0 =	sne.s32 s6, $0x0;
	[dreg:$0x9] =	wrdreg s22;
	s4 =	smul.u32 $0x320000, s7  }
0xf: {  	[dreg:$0xa] =	wrdreg s11;
	s7 =	smul.u32 $0x64000, s7;
	s17 =	sshrl.u32 s9, $0x1  }
0x10: {  	s0 =	ssub.s32 s9, s17;
	s9 =	sadd.s32 s18, s10;
	s28 =	sadd.s32 s25, s24  }
0x11: {  	s15 =	sadd.s32 s3, s20;
	s24 =	simm.s32 $0x80;
	s3 =	simm.s32 $0x8  }
.Ltmp0:
0x12: {  	s8 =	sshrl.u32 s8, $0x3;
	s0 =	smax.u32 s0, $0x1;
	(pc) =	sbr.rel .LBB2_1-.Ltmp0, $4  }
0x13: {  	s26 =	sshll.u32 s9, $0x4;
	s13 =	sor.u32 $0x800, s7;
	s7 =	simm.s32 $0x0  }
0x14: {  	s1 =	sadd.s32 s1, s8;
	[dreg:$0xb] =	wrdreg s0;
	s0 =	sor.u32 $0x10000, s28  }
0x15: {  	[dreg:$0x6] =	wrdreg s1;
	s16 =	sshrl.u32 s0, $0x3;
	s0 =	sshrl.u32 @!p0 s2, $0x3  }
0x16: {  	s14 =	sor.u32 $0x800, s26;
	s1 =	simm.s32 $0x40;
	[dreg:$0xc] =	wrdreg s0  }
.LBB2_8:
0x17: {  	s0 =	simm.s32 $0xD  }
0x18: {  	_ =	swait.ge [sflag:s0], $0x2000  }
0x19: {  	[sflag:s0] =	ssyncset.done $0x0  }
0x1a: {  	s21 =	simm.s32 $0xE;
	[sflag:s0] =	ssyncadd.s32 $0xFFFFE000  }
0x1b: {  	_ =	swait.ge [sflag:s21], $0x2000  }
0x1c: {  	[sflag:s21] =	ssyncset.done $0x0  }
0x1d: {  	s22 =	simm.s32 $0xF;
	[sflag:s21] =	ssyncadd.s32 $0xFFFFE000  }
0x1e: {  	_ =	swait.ge [sflag:s22], $0x2000  }
0x1f: {  	[sflag:s22] =	ssyncset.done $0x0  }
0x20: {  	s25 =	simm.s32 $0x10;
	[sflag:s22] =	ssyncadd.s32 $0xFFFFE000  }
0x21: {  	_ =	swait.ge [sflag:s25], $0x2000  }
0x22: {  	[sflag:s25] =	ssyncset.done $0x0  }
0x23: {  	s26 =	simm.s32 $0x11;
	[sflag:s25] =	ssyncadd.s32 $0xFFFFE000  }
0x24: {  	_ =	swait.ge [sflag:s26], $0x2000  }
0x25: {  	[sflag:s26] =	ssyncset.done $0x0  }
0x26: {  	s6 =	simm.s32 $0x12;
	[sflag:s26] =	ssyncadd.s32 $0xFFFFE000  }
0x27: {  	_ =	swait.ge [sflag:s6], $0x2000  }
0x28: {  	s7 =	rddreg [dreg:$0xd]  }
0x29: {  	s28 =	rddreg [dreg:$0xb];
	s7 =	sadd.s32 $0x1, s7  }
0x2a: {  	p1 =	sne.s32 s7, s28  }
.Ltmp1:
0x2b: {  	_ = 	snop;
	(pc) =	sbr.rel @!p1 .LBB2_9-.Ltmp1, $3  }
0x2c: {  	_ =	sdelay $0x1  }
0x2d: {  	[sflag:s6] =	ssyncset.done $0x0  }
0x2e: {  	[sflag:s6] =	ssyncadd.s32 $0xFFFFE000  }
.LBB2_1:
0x2f: {  	[dreg:$0xd] =	wrdreg s7  }
0x30: {  	s6 =	rddreg [dreg:$0x5]  }
0x31: {  	s0 =	simm.s32 @!p0 $0x1C13;
	s7 =	rddreg [dreg:$0xc]  }
0x32: {  	[spmem:s7], [sflag:s0] =	dma.local @!p0 [hbm:s6], $0xA40  }
0x33: {  	s0 =	simm.s32 @!p0 $0x13  }
0x34: {  	_ =	swait.ge @!p0 [sflag:s0], $0xA40  }
0x35: {  	s12 =	simm.s32 $0x0;
	[sflag:s0] =	ssyncset.done @!p0 $0x0  }
0x36: {  	s18 =	simm.s32 $0x13;
	s17 =	rddreg [dreg:$0x6];
	[sflag:s0] =	ssyncadd.s32 @!p0 $0xFFFFF5C0  }
0x37: {  	[tilespmem:s12], [sflag:$0x13] =	stream.linear.gather [hbm4b:s17+s12], $0x6400, $0x38;
	[tilespmem:$0x12920] =	vst v63  }
0x38: {  	_ =	swait.ge [sflag:s18], $0x6400  }
0x39: {  	[sflag:s18] =	ssyncset.done $0x0  }
0x3a: {  	[sflag:s18] =	ssyncadd.s32 $0xFFFF9C00  }
0x3b: {  	s19 =	simm.s32 $0x6400;
	[bflag:$0x0] =	sbarrier.arrive $0xFFFF  }
0x3c: {  	[tilespmem:s19], [sflag:$0x1] =	stream.linear.gather [spmem:s2], $0x2000, $0x38;
	[tilespmem:$0x12920] =	vst v63  }
0x3d: {  	s8 =	simm.s32 $0x8400;
	s20 =	rddreg [dreg:$0x7]  }
0x3e: {  	[tilespmem:s8], [sflag:$0x2] =	stream.linear.gather [spmem:s20], $0x2000, $0x38;
	[tilespmem:$0x12920] =	vst v63  }
0x3f: {  	s9 =	simm.s32 $0xA400;
	s21 =	rddreg [dreg:$0x8]  }
0x40: {  	[tilespmem:s9], [sflag:$0x3] =	stream.linear.gather [spmem:s21], $0x2000, $0x38;
	[tilespmem:$0x12920] =	vst v63  }
0x41: {  	s25 =	simm.s32 $0xC400;
	s26 =	simm.s32 $0x1;
	s22 =	rddreg [dreg:$0x9]  }
0x42: {  	[tilespmem:s25], [sflag:$0x4] =	stream.linear.gather [spmem:s22], $0x2000, $0x38;
	[tilespmem:$0x12920] =	vst v63  }
0x43: {  	_ =	swait.ge [sflag:s26], $0x2000  }
0x44: {  	[sflag:s26] =	ssyncset.done $0x0  }
0x45: {  	[sflag:s26] =	ssyncadd.s32 $0xFFFFE000  }
0x46: {  	[tilespmem:s19], [sflag:$0x7] =	stream.indirect.gather.add.f32 [hbm:s5], $0x40, s12, s24, $0xb8;
	[tilespmem:$0x12920] =	vst v63  }
.Ltmp2:
0x47: {  	s28 =	simm.s32 $0x2;
	(pc) =	sbr.rel .LBB2_2-.Ltmp2, $4  }
0x48: {  	s6 =	simm.s32 $0x0;
	_ =	swait.ge [sflag:s28], $0x2000  }
0x49: {  	s7 =	simm.s32 $0x0;
	s0 =	smov.u32 s23;
	[sflag:s28] =	ssyncset.done $0x0  }
0x4a: {  	s18 =	simm.s32 $0x3;
	s25 =	simm.s32 $0x0;
	[sflag:s28] =	ssyncadd.s32 $0xFFFFE000  }
0x4b: {  	[tilespmem:s8], [sflag:$0x8] =	stream.indirect.gather.add.f32 [hbm:s5], $0x40, s24, s24, $0xb8;
	[tilespmem:$0x12920] =	vst v63  }
.LBB2_5:
0x4c: {  	s8 =	rddreg [dreg:$0xa];
	s9 =	simm.s32 $0xE400  }
0x4d: {  	[tilespmem:s9], [sflag:$0x5] =	stream.linear.gather [spmem:s8], $0x2000, $0x38;
	[tilespmem:$0x12920] =	vst v63  }
0x4e: {  	s8 =	simm.s32 $0x2800  }
.LBB2_6:
0x4f: {  	s8 =	sshrl.u32 s8, $0x2  }
0x50: {  	s9 =	simm.s32 $0x10400;
	s8 =	sadd.s32 s8, s2  }
0x51: {  	[tilespmem:s9], [sflag:$0x6] =	stream.linear.gather [spmem:s8], $0x2000, $0x38;
	[tilespmem:$0x12920] =	vst v63  }
0x52: {  	_ =	swait.ge [sflag:s29], $0x2000  }
0x53: {  	s22 =	sshra.s32 s6, $0x2;
	[sflag:s29] =	ssyncset.done $0x0  }
0x54: {  	s10 =	simm.s32 $0xA400;
	s26 =	sadd.s32 $0x100, s22;
	[sflag:s29] =	ssyncadd.s32 $0xFFFFE000  }
0x55: {  	[tilespmem:s10], [sflag:$0x9] =	stream.indirect.gather.add.f32 [hbm:s5], $0x40, s26, s24, $0xb8;
	[tilespmem:$0x12920] =	vst v63  }
0x56: {  	_ =	swait.ge [sflag:s30], $0x2000  }
0x57: {  	s28 =	simm.s32 $0xC400;
	[sflag:s30] =	ssyncset.done $0x0  }
0x58: {  	s21 =	sadd.s32 $0xFFFFFFFE, s18;
	s8 =	sadd.s32 $0x180, s22;
	[sflag:s30] =	ssyncadd.s32 $0xFFFFE000  }
0x59: {  	[tilespmem:s28], [sflag:$0xA] =	stream.indirect.gather.add.f32 [hbm:s5], $0x40, s8, s24, $0xb8;
	[tilespmem:$0x12920] =	vst v63  }
.LBB2_7:
0x5a: {  	_ =	swait.ge [sflag:s31], $0x2000  }
0x5b: {  	p1 =	seq.s32 s6, $0x18C00;
	[sflag:s31] =	ssyncset.done $0x0  }
0x5c: {  	s8 =	sadd.s32 s0, s15;
	s9 =	simm.s32 $0x6400;
	[sflag:s31] =	ssyncadd.s32 $0xFFFFE000  }
0x5d: {  	[hbm4b:s8+s1] =	stream.strided.scatter [tilespmem:s9], [sflag:$0xD], $0x2000, s24, s1, $0x38;
	[tilespmem:$0x12920] =	vst v63  }
0x5e: {  	s8 =	sshll.u32 @!p1 s18, $0x5;
	_ =	swait.ge [sflag:s3], $0x2000  }
0x5f: {  	s28 =	sadd.s32 s0, s14;
	s8 =	sand.u32 @!p1 $0x1FE0, s8;
	[sflag:s3] =	ssyncset.done $0x0  }
0x60: {  	s10 =	simm.s32 $0x8400;
	s11 =	smul.u32 @!p1 $0x147B, s8;
	[sflag:s3] =	ssyncadd.s32 $0xFFFFE000  }
0x61: {  	[hbm4b:s28+s1] =	stream.strided.scatter [tilespmem:s10], [sflag:$0xE], $0x2000, s24, s1, $0x38;
	[tilespmem:$0x12920] =	vst v63  }
0x62: {  	s9 =	sshrl.u32 @!p1 s11, $0x11  }
0x63: {  	s9 =	smul.u32 @!p1 $0xC8, s9  }
0x64: {  	s8 =	sor.u32 @!p1 $0x10, s8;
	s11 =	simm.s32 @!p1 $0xD  }
0x65: {  	s8 =	smul.u32 @!p1 $0x147B, s8;
	_ =	swait.ge @!p1 [sflag:s11], $0x2000;
	s9 =	ssub.s32 @!p1 $0x0, s9  }
0x66: {  	[sflag:s11] =	ssyncset.done @!p1 $0x0;
	s9 =	sshll.u32 @!p1 s9, $0x6  }
0x67: {  	[sflag:s11] =	ssyncadd.s32 @!p1 $0xFFFFE000;
	s11 =	sshrl.u32 @!p1 s8, $0x11;
	s9 =	sand.u32 @!p1 $0x3E00, s9  }
0x68: {  	s8 =	simm.s32 @!p1 $0x6400;
	s11 =	smul.u32 @!p1 $0xC8, s11;
	s9 =	sadd.s32 @!p1 s9, s2  }
0x69: {  	[tilespmem:s8], [sflag:$0x1] =	stream.linear.gather @!p1 [spmem:s9], $0x2000, $0x38;
	[tilespmem:$0x12920] =	vst v63  }
0x6a: {  	s11 =	ssub.s32 @!p1 $0x80, s11;
	s9 =	simm.s32 @!p1 $0xE  }
0x6b: {  	s11 =	sshll.u32 @!p1 s11, $0x6;
	_ =	swait.ge @!p1 [sflag:s9], $0x2000  }
0x6c: {  	s11 =	sand.u32 @!p1 $0x3E00, s11;
	[sflag:s9] =	ssyncset.done @!p1 $0x0  }
0x6d: {  	s17 =	simm.s32 @!p1 $0x8400;
	[sflag:s9] =	ssyncadd.s32 @!p1 $0xFFFFE000;
	s9 =	sadd.s32 @!p1 s11, s2  }
0x6e: {  	[tilespmem:s17], [sflag:$0x2] =	stream.linear.gather @!p1 [spmem:s9], $0x2000, $0x38;
	[tilespmem:$0x12920] =	vst v63  }
0x6f: {  	s9 =	simm.s32 @!p1 $0x5  }
0x70: {  	s28 =	sshra.s32 @!p1 s6, $0x2;
	_ =	swait.ge @!p1 [sflag:s9], $0x2000  }
0x71: {  	s22 =	sadd.s32 @!p1 $0x200, s28;
	[sflag:s9] =	ssyncset.done @!p1 $0x0  }
0x72: {  	s11 =	simm.s32 @!p1 $0xE400;
	[sflag:s9] =	ssyncadd.s32 @!p1 $0xFFFFE000;
	s9 =	simm.s32 @!p1 $0x80  }
0x73: {  	[tilespmem:s11], [sflag:$0xB] =	stream.indirect.gather.add.f32 @!p1 [hbm:s5], $0x40, s22, s9, $0xb8;
	[tilespmem:$0x12920] =	vst v63  }
0x74: {  	s22 =	simm.s32 @!p1 $0x6  }
0x75: {  	_ =	swait.ge @!p1 [sflag:s22], $0x2000  }
0x76: {  	[sflag:s22] =	ssyncset.done @!p1 $0x0  }
0x77: {  	s26 =	simm.s32 @!p1 $0x10400;
	[sflag:s22] =	ssyncadd.s32 @!p1 $0xFFFFE000;
	s22 =	sadd.s32 @!p1 $0x280, s28  }
0x78: {  	[tilespmem:s26], [sflag:$0xC] =	stream.indirect.gather.add.f32 @!p1 [hbm:s5], $0x40, s22, s9, $0xb8;
	[tilespmem:$0x12920] =	vst v63  }
0x79: {  	s19 =	sshll.u32 @!p1 s21, $0xF;
	s22 =	simm.s32 @!p1 $0x9  }
0x7a: {  	s20 =	simm.s32 @!p1 $0xA400;
	s19 =	sadd.s32 @!p1 s4, s19;
	_ =	swait.ge @!p1 [sflag:s22], $0x2000  }
0x7b: {  	p2 =	sgt.u32 @!p1 s7, $0x1F;
	s19 =	sshrl.u32 @!p1 s19, $0x3;
	[sflag:s22] =	ssyncset.done @!p1 $0x0  }
0x7c: {  	s19 =	sadd.s32 @!p1 s23, s19;
	[sflag:s22] =	ssyncadd.s32 @!p1 $0xFFFFE000;
	s22 =	simm.s32 @!p1 $0x40  }
0x7d: {  	[hbm4b:s19+s22] =	stream.strided.scatter @!p1 [tilespmem:s20], [sflag:$0xF], $0x2000, s9, s22, $0x38;
	[tilespmem:$0x12920] =	vst v63  }
0x7e: {  	p2 =	por p2, p1;
	s19 =	simm.s32 @!p1 $0xA  }
0x7f: {  	s20 =	sshll.u32 @!p1 s21, $0xC;
	s21 =	sadd.s32 @!p2 $0x400, s25;
	_ =	swait.ge @!p1 [sflag:s19], $0x2000  }
0x80: {  	s20 =	sadd.s32 @!p1 s13, s20;
	s10 =	sand.u32 @!p2 $0xFFF8, s21;
	[sflag:s19] =	ssyncset.done @!p1 $0x0  }
0x81: {  	s10 =	sshrl.u32 @!p2 s10, $0x3;
	[sflag:s19] =	ssyncadd.s32 @!p1 $0xFFFFE000;
	s19 =	sand.u32 @!p1 $0x1FFFF800, s20  }
0x82: {  	s20 =	simm.s32 @!p1 $0xC400;
	s10 =	smul.u32 @!p2 $0x147B, s10;
	s19 =	sadd.s32 @!p1 s23, s19  }
0x83: {  	[hbm4b:s19+s22] =	stream.strided.scatter @!p1 [tilespmem:s20], [sflag:$0x10], $0x2000, s9, s22, $0x38;
	[tilespmem:$0x12920] =	vst v63  }
0x84: {  	s10 =	sshrl.u32 @!p2 s10, $0x11;
	s19 =	sadd.s32 @!p2 $0x480, s25  }
0x85: {  	s10 =	smul.u32 @!p2 $0xC8, s10;
	s20 =	sand.u32 @!p2 $0xFFF8, s19  }
0x86: {  	s12 =	simm.s32 @!p2 $0xF;
	s20 =	sshrl.u32 @!p2 s20, $0x3  }
0x87: {  	_ =	swait.ge @!p2 [sflag:s12], $0x2000;
	s10 =	ssub.s32 @!p2 s21, s10;
	s20 =	smul.u32 @!p2 $0x147B, s20  }
0x88: {  	[sflag:s12] =	ssyncset.done @!p2 $0x0;
	s10 =	sshll.u32 @!p2 s10, $0x6  }
0x89: {  	[sflag:s12] =	ssyncadd.s32 @!p2 $0xFFFFE000;
	s10 =	sand.u32 @!p2 $0x3FC0, s10;
	s12 =	sshrl.u32 @!p2 s20, $0x11  }
0x8a: {  	s20 =	simm.s32 @!p2 $0xA400;
	s10 =	sadd.s32 @!p2 s10, s2;
	s12 =	smul.u32 @!p2 $0xC8, s12  }
0x8b: {  	[tilespmem:s20], [sflag:$0x3] =	stream.linear.gather @!p2 [spmem:s10], $0x2000, $0x38;
	[tilespmem:$0x12920] =	vst v63  }
0x8c: {  	s10 =	ssub.s32 @!p2 s19, s12;
	s12 =	simm.s32 @!p2 $0x10  }
0x8d: {  	_ =	swait.ge @!p2 [sflag:s12], $0x2000;
	s10 =	sshll.u32 @!p2 s10, $0x6  }
0x8e: {  	[sflag:s12] =	ssyncset.done @!p2 $0x0;
	s10 =	sand.u32 @!p2 $0x3FC0, s10  }
0x8f: {  	[sflag:s12] =	ssyncadd.s32 @!p2 $0xFFFFE000;
	s10 =	sadd.s32 @!p2 s10, s2;
	s12 =	simm.s32 @!p2 $0xC400  }
0x90: {  	[tilespmem:s12], [sflag:$0x4] =	stream.linear.gather @!p2 [spmem:s10], $0x2000, $0x38;
	[tilespmem:$0x12920] =	vst v63  }
0x91: {  	s10 =	simm.s32 @!p1 $0x1  }
0x92: {  	_ =	swait.ge @!p1 [sflag:s10], $0x2000  }
0x93: {  	[sflag:s10] =	ssyncset.done @!p1 $0x0  }
0x94: {  	[sflag:s10] =	ssyncadd.s32 @!p1 $0xFFFFE000;
	s10 =	sadd.s32 @!p1 $0x300, s28  }
0x95: {  	[tilespmem:s8], [sflag:$0x7] =	stream.indirect.gather.add.f32 @!p1 [hbm:s5], $0x40, s10, s9, $0xb8;
	[tilespmem:$0x12920] =	vst v63  }
0x96: {  	s8 =	simm.s32 @!p1 $0x2  }
0x97: {  	_ =	swait.ge @!p1 [sflag:s8], $0x2000  }
0x98: {  	[sflag:s8] =	ssyncset.done @!p1 $0x0  }
0x99: {  	[sflag:s8] =	ssyncadd.s32 @!p1 $0xFFFFE000;
	s8 =	sadd.s32 @!p1 $0x380, s28  }
0x9a: {  	[tilespmem:s17], [sflag:$0x8] =	stream.indirect.gather.add.f32 @!p1 [hbm:s5], $0x40, s8, s9, $0xb8;
	[tilespmem:$0x12920] =	vst v63  }
0x9b: {  	s8 =	simm.s32 @!p1 $0xB  }
0x9c: {  	s6 =	sadd.s32 @!p1 $0xC00, s6;
	_ =	swait.ge @!p1 [sflag:s8], $0x2000  }
0x9d: {  	p2 =	sne.s32 @!p1 s6, $0x19800;
	[sflag:s8] =	ssyncset.done @!p1 $0x0  }
0x9e: {  	p2 =	por p1, !p2;
	[sflag:s8] =	ssyncadd.s32 @!p1 $0xFFFFE000;
	s8 =	sadd.s32 @!p1 s0, s16  }
0x9f: {  	[hbm4b:s8+s22] =	stream.strided.scatter @!p1 [tilespmem:s11], [sflag:$0x11], $0x2000, s9, s22, $0x38;
	[tilespmem:$0x12920] =	vst v63  }
.Ltmp3:
0xa0: {  	s8 =	simm.s32 @!p1 $0xC;
	(pc) =	sbr.rel @p2 .LBB2_8-.Ltmp3, $4  }
0xa1: {  	s7 =	sadd.s32 @!p1 $0x1, s7;
	s18 =	sadd.s32 @!p1 $0x3, s18;
	_ =	swait.ge @!p1 [sflag:s8], $0x2000  }
0xa2: {  	s25 =	sadd.s32 @!p1 $0x300, s25;
	s10 =	sadd.s32 @!p1 s0, s15;
	[sflag:s8] =	ssyncset.done @!p1 $0x0  }
0xa3: {  	s0 =	sadd.s32 @!p1 $0x3000, s0;
	[sflag:s8] =	ssyncadd.s32 @!p1 $0xFFFFE000;
	s8 =	sadd.s32 @!p1 $0x2800, s10  }
0xa4: {  	[hbm4b:s8+s22] =	stream.strided.scatter @!p1 [tilespmem:s26], [sflag:$0x12], $0x2000, s9, s22, $0x38;
	[tilespmem:$0x12920] =	vst v63  }
.LBB2_2:
0xa5: {  	p1 =	seq.s32 s6, $0x0  }
.Ltmp4:
0xa6: {  	_ = 	snop;
	(pc) =	sbr.rel @p1 .LBB2_5-.Ltmp4, $1  }
0xa7: {  	_ =	sdelay $0x3  }
0xa8: {  	p1 =	seq.s32 s6, $0x18C00  }
.Ltmp5:
0xa9: {  	_ = 	snop;
	(pc) =	sbr.rel @p1 .LBB2_7-.Ltmp5, $2  }
0xaa: {  	_ =	sdelay $0x2  }
0xab: {  	s21 =	simm.s32 $0x64  }
0xac: {  	s8 =	sadd.s32 $0xFFFFFFFF, s18  }
0xad: {  	s8 =	sshll.u32 s8, $0x5  }
0xae: {  	s8 =	sand.u32 $0x1FE0, s8  }
0xaf: {  	s9 =	smul.u32 $0x147B, s8;
	_ =	sdelay $0x1  }
0xb0: {  	s9 =	sshrl.u32 s9, $0x11  }
0xb1: {  	s8 =	sor.u32 $0x10, s8;
	s9 =	smul.u32 $0xC8, s9  }
0xb2: {  	s10 =	simm.s32 $0x11;
	s8 =	smul.u32 $0x147B, s8  }
0xb3: {  	s26 =	simm.s32 $0xE400;
	s28 =	simm.s32 $0x12;
	s9 =	ssub.s32 $0x0, s9  }
0xb4: {  	_ =	swait.ge [sflag:s10], $0x2000;
	s8 =	sshrl.u32 s8, $0x11;
	s9 =	sshll.u32 s9, $0x6  }
0xb5: {  	[sflag:s10] =	ssyncset.done $0x0;
	s8 =	smul.u32 $0xC8, s8;
	s9 =	sand.u32 $0x3E00, s9  }
.Ltmp6:
0xb6: {  	[sflag:s10] =	ssyncadd.s32 $0xFFFFE000;
	s9 =	sadd.s32 s9, s2;
	(pc) =	sbr.rel .LBB2_6-.Ltmp6, $4  }
0xb7: {  	[tilespmem:s26], [sflag:$0x5] =	stream.linear.gather [spmem:s9], $0x2000, $0x38;
	[tilespmem:$0x12920] =	vst v63  }
0xb8: {  	s8 =	ssub.s32 $0x80, s8;
	_ =	swait.ge [sflag:s28], $0x2000  }
0xb9: {  	s8 =	sshll.u32 s8, $0x8;
	[sflag:s28] =	ssyncset.done $0x0  }
0xba: {  	s8 =	sand.u32 $0xF800, s8;
	[sflag:s28] =	ssyncadd.s32 $0xFFFFE000  }
.LBB2_9:
0xbb: {  	_ =	sfence.sel $0x180000  }
0xbc: {  	[bflag:$0x0] =	sbarrier.arrive $0xFFFF  }
0xbd: {  	_ =	strace $0x90000047  }
0xbe: {  	[bflag:$0x2] =	sbarrier.arrive $0xFFFF  }
0xbf: {  	s0 =	rddreg [dreg:$0x4]  }
0xc0: {  	s0 =	sadd.s32 @!p0 $0x100000, s0  }
0xc1: {  	[sflag:s0] =	ssyncadd.tile.s32 @!p0 $0x1;
	_ =	shalt  }
.Lfunc_end2:
_tile_overlayer_lowered:
.L_overlay_start_2:
0xc2: {  	(tag) =	ssettag $0x2  }
0xc3: {  	s0 =	rddreg [dreg:$0x0];
	s2 =	stileid.u32  }
0xc4: {  	s1 =	rddreg [dreg:$0x1];
	p0 =	sne.s32 s2, $0x0  }
0xc5: {  	s3 =	rddreg [dreg:$0x2];
	[bflag:$0x3] =	sbarrier.arrive $0xFFFF;
	s2 =	simm.s32 @!p0 $0x1C13  }
0xc6: {  	[timem:s3], [sflag:s2] =	dma.local @!p0 [hbm:s0], s1  }
0xc7: {  	s0 =	simm.s32 @!p0 $0x13  }
0xc8: {  	_ =	swait.ge @!p0 [sflag:s0], s1  }
0xc9: {  	s1 =	ssub.s32 @!p0 $0x0, s1;
	[sflag:s0] =	ssyncset.done @!p0 $0x0  }
0xca: {  	[sflag:s0] =	ssyncadd.s32 @!p0 s1  }
0xcb: {  	[bflag:$0x3] =	sbarrier.arrive $0xFFFF  }
0xcc: {  	_ =	shalt  }

</sc_bundles>
